<compile_context>
chip_gen: v7x
topology: tpu7x:2x2x1
jax: 0.10.2.dev20260603
libtpu: 0.0.44.dev20260713+nightly
codegen_flags: <defaults>
</compile_context>

<pallas_src>
import functools

import jax
from jax import lax
from jax.experimental import pallas as pl
from jax.experimental.pallas import tpu as pltpu
from jax.experimental.pallas import tpu_sc as plsc

_SLOT_ROWS = 16
_N_SLOTS = 2


def _make_bcast_kernel(batch, seq, hidden, dtype):
    info = plsc.get_sparse_core_info()
    nw = info.num_cores * info.num_subcores
    rows_per_w = seq // nw

    chunk_rows = []
    r = rows_per_w
    while r > 0:
        c = min(_SLOT_ROWS, r)
        chunk_rows.append(c)
        r -= c
    chunk_off = [sum(chunk_rows[:i]) for i in range(len(chunk_rows))]
    n_chunks = len(chunk_rows)
    n_slots = min(_N_SLOTS, n_chunks)

    mesh = plsc.VectorSubcoreMesh(core_axis_name="c", subcore_axis_name="s")

    @functools.partial(
        pl.kernel,
        mesh=mesh,
        out_type=jax.ShapeDtypeStruct((batch, seq, hidden), dtype),
        scratch_types=[
            pltpu.VMEM((n_slots, _SLOT_ROWS, hidden), dtype),
            pltpu.SemaphoreType.DMA((n_slots,)),
            pltpu.SemaphoreType.DMA((n_slots,)),
        ],
    )
    def k(w_hbm, out_hbm, buf, load_sem, store_sem):
        wid = lax.axis_index("s") * info.num_cores + lax.axis_index("c")
        base = wid * rows_per_w
        rot = wid % batch

        def load(c):
            slot = c % n_slots
            return pltpu.make_async_copy(
                w_hbm.at[pl.ds(base + chunk_off[c], chunk_rows[c])],
                buf.at[slot, pl.ds(0, chunk_rows[c])],
                load_sem.at[slot],
            )

        def stores(c):
            slot = c % n_slots
            return [
                pltpu.make_async_copy(
                    buf.at[slot, pl.ds(0, chunk_rows[c])],
                    out_hbm.at[
                        lax.rem(rot + b, batch), pl.ds(base + chunk_off[c], chunk_rows[c])
                    ],
                    store_sem.at[slot],
                )
                for b in range(batch)
            ]

        all_stores = [stores(c) for c in range(n_chunks)]
        for c in range(n_slots):
            load(c).start()
        for c in range(n_chunks):
            if c >= n_slots:
                for cp in all_stores[c - n_slots]:
                    cp.wait()
                load(c).start()
            load(c).wait()
            for cp in all_stores[c]:
                cp.start()
        for c in range(max(0, n_chunks - n_slots), n_chunks):
            for cp in all_stores[c]:
                cp.wait()

    return k


def kernel(input_ids, pos_emb_weight):
    batch, seq = input_ids.shape
    hidden = pos_emb_weight.shape[1]
    k = _make_bcast_kernel(batch, seq, hidden, pos_emb_weight.dtype)
    return k(pos_emb_weight[:seq])

# --- scband reference (transcript-rebuilt; emitter-appended) ---
"""Pipeline reference for scband-positional-embedding-51049981280981 (READ-ONLY COPY).

The authoritative reference and input builder live on the scoring server;
editing this copy changes nothing except your own understanding.
"""

import jax, jax.numpy as jnp
import numpy as np

MAX_POS = 2048
HIDDEN = 2048
BATCH = 4
SEQ = 2048
INIT_STD = 0.02


def setup_inputs(seed: int = 0) -> dict:
    key = jax.random.key(seed)
    k_ids, k_w = jax.random.split(key)
    input_ids = jax.random.randint(k_ids, (BATCH, SEQ), 0, 50257, dtype=jnp.int32)
    pos_emb_weight = jax.random.normal(k_w, (MAX_POS, HIDDEN), dtype=jnp.float32) * INIT_STD
    return {"input_ids": input_ids, "pos_emb_weight": pos_emb_weight}


def reference(input_ids, pos_emb_weight):
    # seq_length = input_ids.size(1)
    seq_length = input_ids.shape[1]
    # position_ids = arange(seq_length).unsqueeze(0).expand_as(input_ids)
    position_ids = jnp.broadcast_to(jnp.arange(seq_length, dtype=jnp.int32)[None, :], input_ids.shape)
    # embedding lookup (gather rows)
    position_embeddings = jnp.take(pos_emb_weight, position_ids, axis=0)
    # dropout is identity in eval/deterministic mode
    return position_embeddings

if __name__ == "__main__":
    import jax
    _d = setup_inputs()
    print(jax.jit(kernel)(*tuple(_d.values())))

</pallas_src>

<mosaic_0001>
#map = affine_map<(d0, d1) -> (0, 0)>
#map1 = affine_map<(d0, d1) -> (0, 0, 0)>
module attributes {stable_mosaic.version = 14 : i64} {
  func.func @k(%arg0: i32, %arg1: i32, %arg2: memref<2048x2048xf32, #tpu.memory_space<hbm>>, %arg3: memref<4x2048x2048xf32, #tpu.memory_space<hbm>>, %arg4: memref<2x16x2048xf32, #tpu.memory_space<vmem>>, %arg5: memref<2x!tpu.dma_semaphore, #tpu.memory_space<semaphore_mem>>, %arg6: memref<2x!tpu.dma_semaphore, #tpu.memory_space<semaphore_mem>>) attributes {dimension_semantics = [#tpu.dimension_semantics<core_parallel>, #tpu.dimension_semantics<subcore_parallel>], iteration_bounds = array<i64: 2, 16>, scalar_prefetch = 0 : i64, scratch_operands = 3 : i64, tpu.core_type = #tpu.core_type<sc_vector_subcore>, window_params = [{transform_indices = #map}, {transform_indices = #map1}]} {
    %mul3A = arith.constant 2 : i32
    %mul3A_0 = arith.muli %arg1, %mul3A : i32
    %add3A = arith.addi %mul3A_0, %arg0 : i32
    %mul3A_1 = arith.constant 64 : i32
    %mul3A_2 = arith.muli %add3A, %mul3A_1 : i32
    %jit3A = arith.constant 4 : i32
    %eq3A = arith.constant 0 : i32
    %eq3A_3 = arith.cmpi eq, %jit3A, %eq3A : i32
    %jit3A_4 = arith.constant 1 : i32
    %select_n3A = arith.select %eq3A_3, %jit3A_4, %jit3A : i32
    %rem3A = arith.remsi %add3A, %select_n3A : i32
    %ne3A = arith.constant 0 : i32
    %ne3A_5 = arith.cmpi ne, %rem3A, %ne3A : i32
    %lt3A = arith.constant 0 : i32
    %lt3A_6 = arith.cmpi slt, %rem3A, %lt3A : i32
    %lt3A_7 = arith.constant 0 : i32
    %lt3A_8 = arith.cmpi slt, %select_n3A, %lt3A_7 : i32
    %ne3A_9 = arith.xori %lt3A_6, %lt3A_8 : i1
    %and3A = arith.andi %ne3A_9, %ne3A_5 : i1
    %add3A_10 = arith.addi %rem3A, %select_n3A : i32
    %select_n3A_11 = arith.select %and3A, %add3A_10, %rem3A : i32
    %add3A_12 = arith.constant 0 : i32
    %add3A_13 = arith.addi %select_n3A_11, %add3A_12 : i32
    %rem3A_14 = arith.constant 4 : i32
    %rem3A_15 = arith.remsi %add3A_13, %rem3A_14 : i32
    %add3A_16 = arith.constant 0 : i32
    %add3A_17 = arith.addi %mul3A_2, %add3A_16 : i32
    %add3A_18 = arith.constant 1 : i32
    %add3A_19 = arith.addi %select_n3A_11, %add3A_18 : i32
    %rem3A_20 = arith.constant 4 : i32
    %rem3A_21 = arith.remsi %add3A_19, %rem3A_20 : i32
    %add3A_22 = arith.constant 0 : i32
    %add3A_23 = arith.addi %mul3A_2, %add3A_22 : i32
    %add3A_24 = arith.constant 2 : i32
    %add3A_25 = arith.addi %select_n3A_11, %add3A_24 : i32
    %rem3A_26 = arith.constant 4 : i32
    %rem3A_27 = arith.remsi %add3A_25, %rem3A_26 : i32
    %add3A_28 = arith.constant 0 : i32
    %add3A_29 = arith.addi %mul3A_2, %add3A_28 : i32
    %add3A_30 = arith.constant 3 : i32
    %add3A_31 = arith.addi %select_n3A_11, %add3A_30 : i32
    %rem3A_32 = arith.constant 4 : i32
    %rem3A_33 = arith.remsi %add3A_31, %rem3A_32 : i32
    %add3A_34 = arith.constant 0 : i32
    %add3A_35 = arith.addi %mul3A_2, %add3A_34 : i32
    %add3A_36 = arith.constant 0 : i32
    %add3A_37 = arith.addi %select_n3A_11, %add3A_36 : i32
    %rem3A_38 = arith.constant 4 : i32
    %rem3A_39 = arith.remsi %add3A_37, %rem3A_38 : i32
    %add3A_40 = arith.constant 16 : i32
    %add3A_41 = arith.addi %mul3A_2, %add3A_40 : i32
    %add3A_42 = arith.constant 1 : i32
    %add3A_43 = arith.addi %select_n3A_11, %add3A_42 : i32
    %rem3A_44 = arith.constant 4 : i32
    %rem3A_45 = arith.remsi %add3A_43, %rem3A_44 : i32
    %add3A_46 = arith.constant 16 : i32
    %add3A_47 = arith.addi %mul3A_2, %add3A_46 : i32
    %add3A_48 = arith.constant 2 : i32
    %add3A_49 = arith.addi %select_n3A_11, %add3A_48 : i32
    %rem3A_50 = arith.constant 4 : i32
    %rem3A_51 = arith.remsi %add3A_49, %rem3A_50 : i32
    %add3A_52 = arith.constant 16 : i32
    %add3A_53 = arith.addi %mul3A_2, %add3A_52 : i32
    %add3A_54 = arith.constant 3 : i32
    %add3A_55 = arith.addi %select_n3A_11, %add3A_54 : i32
    %rem3A_56 = arith.constant 4 : i32
    %rem3A_57 = arith.remsi %add3A_55, %rem3A_56 : i32
    %add3A_58 = arith.constant 16 : i32
    %add3A_59 = arith.addi %mul3A_2, %add3A_58 : i32
    %add3A_60 = arith.constant 0 : i32
    %add3A_61 = arith.addi %select_n3A_11, %add3A_60 : i32
    %rem3A_62 = arith.constant 4 : i32
    %rem3A_63 = arith.remsi %add3A_61, %rem3A_62 : i32
    %add3A_64 = arith.constant 32 : i32
    %add3A_65 = arith.addi %mul3A_2, %add3A_64 : i32
    %add3A_66 = arith.constant 1 : i32
    %add3A_67 = arith.addi %select_n3A_11, %add3A_66 : i32
    %rem3A_68 = arith.constant 4 : i32
    %rem3A_69 = arith.remsi %add3A_67, %rem3A_68 : i32
    %add3A_70 = arith.constant 32 : i32
    %add3A_71 = arith.addi %mul3A_2, %add3A_70 : i32
    %add3A_72 = arith.constant 2 : i32
    %add3A_73 = arith.addi %select_n3A_11, %add3A_72 : i32
    %rem3A_74 = arith.constant 4 : i32
    %rem3A_75 = arith.remsi %add3A_73, %rem3A_74 : i32
    %add3A_76 = arith.constant 32 : i32
    %add3A_77 = arith.addi %mul3A_2, %add3A_76 : i32
    %add3A_78 = arith.constant 3 : i32
    %add3A_79 = arith.addi %select_n3A_11, %add3A_78 : i32
    %rem3A_80 = arith.constant 4 : i32
    %rem3A_81 = arith.remsi %add3A_79, %rem3A_80 : i32
    %add3A_82 = arith.constant 32 : i32
    %add3A_83 = arith.addi %mul3A_2, %add3A_82 : i32
    %add3A_84 = arith.constant 0 : i32
    %add3A_85 = arith.addi %select_n3A_11, %add3A_84 : i32
    %rem3A_86 = arith.constant 4 : i32
    %rem3A_87 = arith.remsi %add3A_85, %rem3A_86 : i32
    %add3A_88 = arith.constant 48 : i32
    %add3A_89 = arith.addi %mul3A_2, %add3A_88 : i32
    %add3A_90 = arith.constant 1 : i32
    %add3A_91 = arith.addi %select_n3A_11, %add3A_90 : i32
    %rem3A_92 = arith.constant 4 : i32
    %rem3A_93 = arith.remsi %add3A_91, %rem3A_92 : i32
    %add3A_94 = arith.constant 48 : i32
    %add3A_95 = arith.addi %mul3A_2, %add3A_94 : i32
    %add3A_96 = arith.constant 2 : i32
    %add3A_97 = arith.addi %select_n3A_11, %add3A_96 : i32
    %rem3A_98 = arith.constant 4 : i32
    %rem3A_99 = arith.remsi %add3A_97, %rem3A_98 : i32
    %add3A_100 = arith.constant 48 : i32
    %add3A_101 = arith.addi %mul3A_2, %add3A_100 : i32
    %add3A_102 = arith.constant 3 : i32
    %add3A_103 = arith.addi %select_n3A_11, %add3A_102 : i32
    %rem3A_104 = arith.constant 4 : i32
    %rem3A_105 = arith.remsi %add3A_103, %rem3A_104 : i32
    %add3A_106 = arith.constant 48 : i32
    %add3A_107 = arith.addi %mul3A_2, %add3A_106 : i32
    %add3A_108 = arith.constant 0 : i32
    %add3A_109 = arith.addi %mul3A_2, %add3A_108 : i32
    %dma_start3A = arith.constant 0 : i32
    %dma_start3A_110 = arith.constant 0 : i32
    %dma_start3A_111 = arith.constant 0 : i32
    %dma_start3A_112 = arith.constant 0 : i32
    %dma_start3A_113 = tpu.memref_slice %arg4[%dma_start3A, %dma_start3A_111, %dma_start3A_112] : memref<2x16x2048xf32, #tpu.memory_space<vmem>> -> memref<1x16x2048xf32, #tpu.memory_space<vmem>>
    %dma_start3A_114 = tpu.memref_squeeze %dma_start3A_113 : memref<1x16x2048xf32, #tpu.memory_space<vmem>> -> memref<16x2048xf32, #tpu.memory_space<vmem>>
    %dma_start3A_115 = arith.constant 0 : i32
    %dma_start3A_116 = tpu.memref_slice %arg2[%add3A_109, %dma_start3A_115] : memref<2048x2048xf32, #tpu.memory_space<hbm>> -> memref<16x2048xf32, #tpu.memory_space<hbm>>
    %dma_start3A_117 = tpu.memref_slice %arg5[%dma_start3A_110] : memref<2x!tpu.dma_semaphore, #tpu.memory_space<semaphore_mem>> -> memref<1x!tpu.dma_semaphore, #tpu.memory_space<semaphore_mem>>
    %dma_start3A_118 = tpu.memref_squeeze %dma_start3A_117 : memref<1x!tpu.dma_semaphore, #tpu.memory_space<semaphore_mem>> -> memref<!tpu.dma_semaphore, #tpu.memory_space<semaphore_mem>>
    %dma_start3A_119 = arith.constant 0 : i32
    %dma_start3A_120 = arith.constant 0 : i32
    %dma_start3A_121 = tpu.memref_slice %arg4[%dma_start3A, %dma_start3A_119, %dma_start3A_120] : memref<2x16x2048xf32, #tpu.memory_space<vmem>> -> memref<1x16x2048xf32, #tpu.memory_space<vmem>>
    %dma_start3A_122 = tpu.memref_squeeze %dma_start3A_121 : memref<1x16x2048xf32, #tpu.memory_space<vmem>> -> memref<16x2048xf32, #tpu.memory_space<vmem>>
    %dma_start3A_123 = arith.constant 0 : i32
    %dma_start3A_124 = tpu.memref_slice %arg2[%add3A_109, %dma_start3A_123] : memref<2048x2048xf32, #tpu.memory_space<hbm>> -> memref<16x2048xf32, #tpu.memory_space<hbm>>
    tpu.enqueue_dma source(%dma_start3A_124 : memref<16x2048xf32, #tpu.memory_space<hbm>>) target(%dma_start3A_122 : memref<16x2048xf32, #tpu.memory_space<vmem>>) target_semaphore(%dma_start3A_118 : memref<!tpu.dma_semaphore, #tpu.memory_space<semaphore_mem>>)
    %add3A_125 = arith.constant 16 : i32
    %add3A_126 = arith.addi %mul3A_2, %add3A_125 : i32
    %dma_start3A_127 = arith.constant 1 : i32
    %dma_start3A_128 = arith.constant 1 : i32
    %dma_start3A_129 = arith.constant 0 : i32
    %dma_start3A_130 = arith.constant 0 : i32
    %dma_start3A_131 = tpu.memref_slice %arg4[%dma_start3A_127, %dma_start3A_129, %dma_start3A_130] : memref<2x16x2048xf32, #tpu.memory_space<vmem>> -> memref<1x16x2048xf32, #tpu.memory_space<vmem>>
    %dma_start3A_132 = tpu.memref_squeeze %dma_start3A_131 : memref<1x16x2048xf32, #tpu.memory_space<vmem>> -> memref<16x2048xf32, #tpu.memory_space<vmem>>
    %dma_start3A_133 = arith.constant 0 : i32
    %dma_start3A_134 = tpu.memref_slice %arg2[%add3A_126, %dma_start3A_133] : memref<2048x2048xf32, #tpu.memory_space<hbm>> -> memref<16x2048xf32, #tpu.memory_space<hbm>>
    %dma_start3A_135 = tpu.memref_slice %arg5[%dma_start3A_128] : memref<2x!tpu.dma_semaphore, #tpu.memory_space<semaphore_mem>> -> memref<1x!tpu.dma_semaphore, #tpu.memory_space<semaphore_mem>>
    %dma_start3A_136 = tpu.memref_squeeze %dma_start3A_135 : memref<1x!tpu.dma_semaphore, #tpu.memory_space<semaphore_mem>> -> memref<!tpu.dma_semaphore, #tpu.memory_space<semaphore_mem>>
    %dma_start3A_137 = arith.constant 0 : i32
    %dma_start3A_138 = arith.constant 0 : i32
    %dma_start3A_139 = tpu.memref_slice %arg4[%dma_start3A_127, %dma_start3A_137, %dma_start3A_138] : memref<2x16x2048xf32, #tpu.memory_space<vmem>> -> memref<1x16x2048xf32, #tpu.memory_space<vmem>>
    %dma_start3A_140 = tpu.memref_squeeze %dma_start3A_139 : memref<1x16x2048xf32, #tpu.memory_space<vmem>> -> memref<16x2048xf32, #tpu.memory_space<vmem>>
    %dma_start3A_141 = arith.constant 0 : i32
    %dma_start3A_142 = tpu.memref_slice %arg2[%add3A_126, %dma_start3A_141] : memref<2048x2048xf32, #tpu.memory_space<hbm>> -> memref<16x2048xf32, #tpu.memory_space<hbm>>
    tpu.enqueue_dma source(%dma_start3A_142 : memref<16x2048xf32, #tpu.memory_space<hbm>>) target(%dma_start3A_140 : memref<16x2048xf32, #tpu.memory_space<vmem>>) target_semaphore(%dma_start3A_136 : memref<!tpu.dma_semaphore, #tpu.memory_space<semaphore_mem>>)
    %add3A_143 = arith.constant 0 : i32
    %add3A_144 = arith.addi %mul3A_2, %add3A_143 : i32
    %dma_wait3A = arith.constant 0 : i32
    %dma_wait3A_145 = arith.constant 0 : i32
    %dma_wait3A_146 = arith.constant 0 : i32
    %dma_wait3A_147 = arith.constant 0 : i32
    %dma_wait3A_148 = tpu.memref_slice %arg4[%dma_wait3A, %dma_wait3A_146, %dma_wait3A_147] : memref<2x16x2048xf32, #tpu.memory_space<vmem>> -> memref<1x16x2048xf32, #tpu.memory_space<vmem>>
    %dma_wait3A_149 = tpu.memref_squeeze %dma_wait3A_148 : memref<1x16x2048xf32, #tpu.memory_space<vmem>> -> memref<16x2048xf32, #tpu.memory_space<vmem>>
    %dma_wait3A_150 = arith.constant 0 : i32
    %dma_wait3A_151 = tpu.memref_slice %arg2[%add3A_144, %dma_wait3A_150] : memref<2048x2048xf32, #tpu.memory_space<hbm>> -> memref<16x2048xf32, #tpu.memory_space<hbm>>
    %dma_wait3A_152 = tpu.memref_slice %arg5[%dma_wait3A_145] : memref<2x!tpu.dma_semaphore, #tpu.memory_space<semaphore_mem>> -> memref<1x!tpu.dma_semaphore, #tpu.memory_space<semaphore_mem>>
    %dma_wait3A_153 = tpu.memref_squeeze %dma_wait3A_152 : memref<1x!tpu.dma_semaphore, #tpu.memory_space<semaphore_mem>> -> memref<!tpu.dma_semaphore, #tpu.memory_space<semaphore_mem>>
    %dma_wait3A_154 = arith.constant 0 : i32
    %dma_wait3A_155 = arith.constant 0 : i32
    %dma_wait3A_156 = tpu.memref_slice %arg4[%dma_wait3A, %dma_wait3A_154, %dma_wait3A_155] : memref<2x16x2048xf32, #tpu.memory_space<vmem>> -> memref<1x16x2048xf32, #tpu.memory_space<vmem>>
    %dma_wait3A_157 = tpu.memref_squeeze %dma_wait3A_156 : memref<1x16x2048xf32, #tpu.memory_space<vmem>> -> memref<16x2048xf32, #tpu.memory_space<vmem>>
    %dma_wait3A_158 = arith.constant 0 : i32
    %dma_wait3A_159 = tpu.memref_slice %arg2[%add3A_144, %dma_wait3A_158] : memref<2048x2048xf32, #tpu.memory_space<hbm>> -> memref<16x2048xf32, #tpu.memory_space<hbm>>
    tpu.wait_dma2 semaphore(%dma_wait3A_153 : memref<!tpu.dma_semaphore, #tpu.memory_space<semaphore_mem>>) src(%dma_wait3A_159 : memref<16x2048xf32, #tpu.memory_space<hbm>>) dst(%dma_wait3A_157 : memref<16x2048xf32, #tpu.memory_space<vmem>>)
    %dma_start3A_160 = arith.constant 0 : i32
    %dma_start3A_161 = arith.constant 0 : i32
    %dma_start3A_162 = arith.constant 0 : i32
    %dma_start3A_163 = arith.constant 0 : i32
    %dma_start3A_164 = tpu.memref_slice %arg4[%dma_start3A_160, %dma_start3A_162, %dma_start3A_163] : memref<2x16x2048xf32, #tpu.memory_space<vmem>> -> memref<1x16x2048xf32, #tpu.memory_space<vmem>>
    %dma_start3A_165 = tpu.memref_squeeze %dma_start3A_164 : memref<1x16x2048xf32, #tpu.memory_space<vmem>> -> memref<16x2048xf32, #tpu.memory_space<vmem>>
    %dma_start3A_166 = arith.constant 0 : i32
    %dma_start3A_167 = tpu.memref_slice %arg3[%rem3A_15, %add3A_17, %dma_start3A_166] : memref<4x2048x2048xf32, #tpu.memory_space<hbm>> -> memref<1x16x2048xf32, #tpu.memory_space<hbm>>
    %dma_start3A_168 = tpu.memref_squeeze %dma_start3A_167 : memref<1x16x2048xf32, #tpu.memory_space<hbm>> -> memref<16x2048xf32, #tpu.memory_space<hbm>>
    %dma_start3A_169 = tpu.memref_slice %arg6[%dma_start3A_161] : memref<2x!tpu.dma_semaphore, #tpu.memory_space<semaphore_mem>> -> memref<1x!tpu.dma_semaphore, #tpu.memory_space<semaphore_mem>>
    %dma_start3A_170 = tpu.memref_squeeze %dma_start3A_169 : memref<1x!tpu.dma_semaphore, #tpu.memory_space<semaphore_mem>> -> memref<!tpu.dma_semaphore, #tpu.memory_space<semaphore_mem>>
    %dma_start3A_171 = arith.constant 0 : i32
    %dma_start3A_172 = tpu.memref_slice %arg3[%rem3A_15, %add3A_17, %dma_start3A_171] : memref<4x2048x2048xf32, #tpu.memory_space<hbm>> -> memref<1x16x2048xf32, #tpu.memory_space<hbm>>
    %dma_start3A_173 = tpu.memref_squeeze %dma_start3A_172 : memref<1x16x2048xf32, #tpu.memory_space<hbm>> -> memref<16x2048xf32, #tpu.memory_space<hbm>>
    %dma_start3A_174 = arith.constant 0 : i32
    %dma_start3A_175 = arith.constant 0 : i32
    %dma_start3A_176 = tpu.memref_slice %arg4[%dma_start3A_160, %dma_start3A_174, %dma_start3A_175] : memref<2x16x2048xf32, #tpu.memory_space<vmem>> -> memref<1x16x2048xf32, #tpu.memory_space<vmem>>
    %dma_start3A_177 = tpu.memref_squeeze %dma_start3A_176 : memref<1x16x2048xf32, #tpu.memory_space<vmem>> -> memref<16x2048xf32, #tpu.memory_space<vmem>>
    tpu.enqueue_dma source(%dma_start3A_177 : memref<16x2048xf32, #tpu.memory_space<vmem>>) target(%dma_start3A_173 : memref<16x2048xf32, #tpu.memory_space<hbm>>) target_semaphore(%dma_start3A_170 : memref<!tpu.dma_semaphore, #tpu.memory_space<semaphore_mem>>)
    %dma_start3A_178 = arith.constant 0 : i32
    %dma_start3A_179 = arith.constant 0 : i32
    %dma_start3A_180 = arith.constant 0 : i32
    %dma_start3A_181 = arith.constant 0 : i32
    %dma_start3A_182 = tpu.memref_slice %arg4[%dma_start3A_178, %dma_start3A_180, %dma_start3A_181] : memref<2x16x2048xf32, #tpu.memory_space<vmem>> -> memref<1x16x2048xf32, #tpu.memory_space<vmem>>
    %dma_start3A_183 = tpu.memref_squeeze %dma_start3A_182 : memref<1x16x2048xf32, #tpu.memory_space<vmem>> -> memref<16x2048xf32, #tpu.memory_space<vmem>>
    %dma_start3A_184 = arith.constant 0 : i32
    %dma_start3A_185 = tpu.memref_slice %arg3[%rem3A_21, %add3A_23, %dma_start3A_184] : memref<4x2048x2048xf32, #tpu.memory_space<hbm>> -> memref<1x16x2048xf32, #tpu.memory_space<hbm>>
    %dma_start3A_186 = tpu.memref_squeeze %dma_start3A_185 : memref<1x16x2048xf32, #tpu.memory_space<hbm>> -> memref<16x2048xf32, #tpu.memory_space<hbm>>
    %dma_start3A_187 = tpu.memref_slice %arg6[%dma_start3A_179] : memref<2x!tpu.dma_semaphore, #tpu.memory_space<semaphore_mem>> -> memref<1x!tpu.dma_semaphore, #tpu.memory_space<semaphore_mem>>
    %dma_start3A_188 = tpu.memref_squeeze %dma_start3A_187 : memref<1x!tpu.dma_semaphore, #tpu.memory_space<semaphore_mem>> -> memref<!tpu.dma_semaphore, #tpu.memory_space<semaphore_mem>>
    %dma_start3A_189 = arith.constant 0 : i32
    %dma_start3A_190 = tpu.memref_slice %arg3[%rem3A_21, %add3A_23, %dma_start3A_189] : memref<4x2048x2048xf32, #tpu.memory_space<hbm>> -> memref<1x16x2048xf32, #tpu.memory_space<hbm>>
    %dma_start3A_191 = tpu.memref_squeeze %dma_start3A_190 : memref<1x16x2048xf32, #tpu.memory_space<hbm>> -> memref<16x2048xf32, #tpu.memory_space<hbm>>
    %dma_start3A_192 = arith.constant 0 : i32
    %dma_start3A_193 = arith.constant 0 : i32
    %dma_start3A_194 = tpu.memref_slice %arg4[%dma_start3A_178, %dma_start3A_192, %dma_start3A_193] : memref<2x16x2048xf32, #tpu.memory_space<vmem>> -> memref<1x16x2048xf32, #tpu.memory_space<vmem>>
    %dma_start3A_195 = tpu.memref_squeeze %dma_start3A_194 : memref<1x16x2048xf32, #tpu.memory_space<vmem>> -> memref<16x2048xf32, #tpu.memory_space<vmem>>
    tpu.enqueue_dma source(%dma_start3A_195 : memref<16x2048xf32, #tpu.memory_space<vmem>>) target(%dma_start3A_191 : memref<16x2048xf32, #tpu.memory_space<hbm>>) target_semaphore(%dma_start3A_188 : memref<!tpu.dma_semaphore, #tpu.memory_space<semaphore_mem>>)
    %dma_start3A_196 = arith.constant 0 : i32
    %dma_start3A_197 = arith.constant 0 : i32
    %dma_start3A_198 = arith.constant 0 : i32
    %dma_start3A_199 = arith.constant 0 : i32
    %dma_start3A_200 = tpu.memref_slice %arg4[%dma_start3A_196, %dma_start3A_198, %dma_start3A_199] : memref<2x16x2048xf32, #tpu.memory_space<vmem>> -> memref<1x16x2048xf32, #tpu.memory_space<vmem>>
    %dma_start3A_201 = tpu.memref_squeeze %dma_start3A_200 : memref<1x16x2048xf32, #tpu.memory_space<vmem>> -> memref<16x2048xf32, #tpu.memory_space<vmem>>
    %dma_start3A_202 = arith.constant 0 : i32
    %dma_start3A_203 = tpu.memref_slice %arg3[%rem3A_27, %add3A_29, %dma_start3A_202] : memref<4x2048x2048xf32, #tpu.memory_space<hbm>> -> memref<1x16x2048xf32, #tpu.memory_space<hbm>>
    %dma_start3A_204 = tpu.memref_squeeze %dma_start3A_203 : memref<1x16x2048xf32, #tpu.memory_space<hbm>> -> memref<16x2048xf32, #tpu.memory_space<hbm>>
    %dma_start3A_205 = tpu.memref_slice %arg6[%dma_start3A_197] : memref<2x!tpu.dma_semaphore, #tpu.memory_space<semaphore_mem>> -> memref<1x!tpu.dma_semaphore, #tpu.memory_space<semaphore_mem>>
    %dma_start3A_206 = tpu.memref_squeeze %dma_start3A_205 : memref<1x!tpu.dma_semaphore, #tpu.memory_space<semaphore_mem>> -> memref<!tpu.dma_semaphore, #tpu.memory_space<semaphore_mem>>
    %dma_start3A_207 = arith.constant 0 : i32
    %dma_start3A_208 = tpu.memref_slice %arg3[%rem3A_27, %add3A_29, %dma_start3A_207] : memref<4x2048x2048xf32, #tpu.memory_space<hbm>> -> memref<1x16x2048xf32, #tpu.memory_space<hbm>>
    %dma_start3A_209 = tpu.memref_squeeze %dma_start3A_208 : memref<1x16x2048xf32, #tpu.memory_space<hbm>> -> memref<16x2048xf32, #tpu.memory_space<hbm>>
    %dma_start3A_210 = arith.constant 0 : i32
    %dma_start3A_211 = arith.constant 0 : i32
    %dma_start3A_212 = tpu.memref_slice %arg4[%dma_start3A_196, %dma_start3A_210, %dma_start3A_211] : memref<2x16x2048xf32, #tpu.memory_space<vmem>> -> memref<1x16x2048xf32, #tpu.memory_space<vmem>>
    %dma_start3A_213 = tpu.memref_squeeze %dma_start3A_212 : memref<1x16x2048xf32, #tpu.memory_space<vmem>> -> memref<16x2048xf32, #tpu.memory_space<vmem>>
    tpu.enqueue_dma source(%dma_start3A_213 : memref<16x2048xf32, #tpu.memory_space<vmem>>) target(%dma_start3A_209 : memref<16x2048xf32, #tpu.memory_space<hbm>>) target_semaphore(%dma_start3A_206 : memref<!tpu.dma_semaphore, #tpu.memory_space<semaphore_mem>>)
    %dma_start3A_214 = arith.constant 0 : i32
    %dma_start3A_215 = arith.constant 0 : i32
    %dma_start3A_216 = arith.constant 0 : i32
    %dma_start3A_217 = arith.constant 0 : i32
    %dma_start3A_218 = tpu.memref_slice %arg4[%dma_start3A_214, %dma_start3A_216, %dma_start3A_217] : memref<2x16x2048xf32, #tpu.memory_space<vmem>> -> memref<1x16x2048xf32, #tpu.memory_space<vmem>>
    %dma_start3A_219 = tpu.memref_squeeze %dma_start3A_218 : memref<1x16x2048xf32, #tpu.memory_space<vmem>> -> memref<16x2048xf32, #tpu.memory_space<vmem>>
    %dma_start3A_220 = arith.constant 0 : i32
    %dma_start3A_221 = tpu.memref_slice %arg3[%rem3A_33, %add3A_35, %dma_start3A_220] : memref<4x2048x2048xf32, #tpu.memory_space<hbm>> -> memref<1x16x2048xf32, #tpu.memory_space<hbm>>
    %dma_start3A_222 = tpu.memref_squeeze %dma_start3A_221 : memref<1x16x2048xf32, #tpu.memory_space<hbm>> -> memref<16x2048xf32, #tpu.memory_space<hbm>>
    %dma_start3A_223 = tpu.memref_slice %arg6[%dma_start3A_215] : memref<2x!tpu.dma_semaphore, #tpu.memory_space<semaphore_mem>> -> memref<1x!tpu.dma_semaphore, #tpu.memory_space<semaphore_mem>>
    %dma_start3A_224 = tpu.memref_squeeze %dma_start3A_223 : memref<1x!tpu.dma_semaphore, #tpu.memory_space<semaphore_mem>> -> memref<!tpu.dma_semaphore, #tpu.memory_space<semaphore_mem>>
    %dma_start3A_225 = arith.constant 0 : i32
    %dma_start3A_226 = tpu.memref_slice %arg3[%rem3A_33, %add3A_35, %dma_start3A_225] : memref<4x2048x2048xf32, #tpu.memory_space<hbm>> -> memref<1x16x2048xf32, #tpu.memory_space<hbm>>
    %dma_start3A_227 = tpu.memref_squeeze %dma_start3A_226 : memref<1x16x2048xf32, #tpu.memory_space<hbm>> -> memref<16x2048xf32, #tpu.memory_space<hbm>>
    %dma_start3A_228 = arith.constant 0 : i32
    %dma_start3A_229 = arith.constant 0 : i32
    %dma_start3A_230 = tpu.memref_slice %arg4[%dma_start3A_214, %dma_start3A_228, %dma_start3A_229] : memref<2x16x2048xf32, #tpu.memory_space<vmem>> -> memref<1x16x2048xf32, #tpu.memory_space<vmem>>
    %dma_start3A_231 = tpu.memref_squeeze %dma_start3A_230 : memref<1x16x2048xf32, #tpu.memory_space<vmem>> -> memref<16x2048xf32, #tpu.memory_space<vmem>>
    tpu.enqueue_dma source(%dma_start3A_231 : memref<16x2048xf32, #tpu.memory_space<vmem>>) target(%dma_start3A_227 : memref<16x2048xf32, #tpu.memory_space<hbm>>) target_semaphore(%dma_start3A_224 : memref<!tpu.dma_semaphore, #tpu.memory_space<semaphore_mem>>)
    %add3A_232 = arith.constant 16 : i32
    %add3A_233 = arith.addi %mul3A_2, %add3A_232 : i32
    %dma_wait3A_234 = arith.constant 1 : i32
    %dma_wait3A_235 = arith.constant 1 : i32
    %dma_wait3A_236 = arith.constant 0 : i32
    %dma_wait3A_237 = arith.constant 0 : i32
    %dma_wait3A_238 = tpu.memref_slice %arg4[%dma_wait3A_234, %dma_wait3A_236, %dma_wait3A_237] : memref<2x16x2048xf32, #tpu.memory_space<vmem>> -> memref<1x16x2048xf32, #tpu.memory_space<vmem>>
    %dma_wait3A_239 = tpu.memref_squeeze %dma_wait3A_238 : memref<1x16x2048xf32, #tpu.memory_space<vmem>> -> memref<16x2048xf32, #tpu.memory_space<vmem>>
    %dma_wait3A_240 = arith.constant 0 : i32
    %dma_wait3A_241 = tpu.memref_slice %arg2[%add3A_233, %dma_wait3A_240] : memref<2048x2048xf32, #tpu.memory_space<hbm>> -> memref<16x2048xf32, #tpu.memory_space<hbm>>
    %dma_wait3A_242 = tpu.memref_slice %arg5[%dma_wait3A_235] : memref<2x!tpu.dma_semaphore, #tpu.memory_space<semaphore_mem>> -> memref<1x!tpu.dma_semaphore, #tpu.memory_space<semaphore_mem>>
    %dma_wait3A_243 = tpu.memref_squeeze %dma_wait3A_242 : memref<1x!tpu.dma_semaphore, #tpu.memory_space<semaphore_mem>> -> memref<!tpu.dma_semaphore, #tpu.memory_space<semaphore_mem>>
    %dma_wait3A_244 = arith.constant 0 : i32
    %dma_wait3A_245 = arith.constant 0 : i32
    %dma_wait3A_246 = tpu.memref_slice %arg4[%dma_wait3A_234, %dma_wait3A_244, %dma_wait3A_245] : memref<2x16x2048xf32, #tpu.memory_space<vmem>> -> memref<1x16x2048xf32, #tpu.memory_space<vmem>>
    %dma_wait3A_247 = tpu.memref_squeeze %dma_wait3A_246 : memref<1x16x2048xf32, #tpu.memory_space<vmem>> -> memref<16x2048xf32, #tpu.memory_space<vmem>>
    %dma_wait3A_248 = arith.constant 0 : i32
    %dma_wait3A_249 = tpu.memref_slice %arg2[%add3A_233, %dma_wait3A_248] : memref<2048x2048xf32, #tpu.memory_space<hbm>> -> memref<16x2048xf32, #tpu.memory_space<hbm>>
    tpu.wait_dma2 semaphore(%dma_wait3A_243 : memref<!tpu.dma_semaphore, #tpu.memory_space<semaphore_mem>>) src(%dma_wait3A_249 : memref<16x2048xf32, #tpu.memory_space<hbm>>) dst(%dma_wait3A_247 : memref<16x2048xf32, #tpu.memory_space<vmem>>)
    %dma_start3A_250 = arith.constant 1 : i32
    %dma_start3A_251 = arith.constant 1 : i32
    %dma_start3A_252 = arith.constant 0 : i32
    %dma_start3A_253 = arith.constant 0 : i32
    %dma_start3A_254 = tpu.memref_slice %arg4[%dma_start3A_250, %dma_start3A_252, %dma_start3A_253] : memref<2x16x2048xf32, #tpu.memory_space<vmem>> -> memref<1x16x2048xf32, #tpu.memory_space<vmem>>
    %dma_start3A_255 = tpu.memref_squeeze %dma_start3A_254 : memref<1x16x2048xf32, #tpu.memory_space<vmem>> -> memref<16x2048xf32, #tpu.memory_space<vmem>>
    %dma_start3A_256 = arith.constant 0 : i32
    %dma_start3A_257 = tpu.memref_slice %arg3[%rem3A_39, %add3A_41, %dma_start3A_256] : memref<4x2048x2048xf32, #tpu.memory_space<hbm>> -> memref<1x16x2048xf32, #tpu.memory_space<hbm>>
    %dma_start3A_258 = tpu.memref_squeeze %dma_start3A_257 : memref<1x16x2048xf32, #tpu.memory_space<hbm>> -> memref<16x2048xf32, #tpu.memory_space<hbm>>
    %dma_start3A_259 = tpu.memref_slice %arg6[%dma_start3A_251] : memref<2x!tpu.dma_semaphore, #tpu.memory_space<semaphore_mem>> -> memref<1x!tpu.dma_semaphore, #tpu.memory_space<semaphore_mem>>
    %dma_start3A_260 = tpu.memref_squeeze %dma_start3A_259 : memref<1x!tpu.dma_semaphore, #tpu.memory_space<semaphore_mem>> -> memref<!tpu.dma_semaphore, #tpu.memory_space<semaphore_mem>>
    %dma_start3A_261 = arith.constant 0 : i32
    %dma_start3A_262 = tpu.memref_slice %arg3[%rem3A_39, %add3A_41, %dma_start3A_261] : memref<4x2048x2048xf32, #tpu.memory_space<hbm>> -> memref<1x16x2048xf32, #tpu.memory_space<hbm>>
    %dma_start3A_263 = tpu.memref_squeeze %dma_start3A_262 : memref<1x16x2048xf32, #tpu.memory_space<hbm>> -> memref<16x2048xf32, #tpu.memory_space<hbm>>
    %dma_start3A_264 = arith.constant 0 : i32
    %dma_start3A_265 = arith.constant 0 : i32
    %dma_start3A_266 = tpu.memref_slice %arg4[%dma_start3A_250, %dma_start3A_264, %dma_start3A_265] : memref<2x16x2048xf32, #tpu.memory_space<vmem>> -> memref<1x16x2048xf32, #tpu.memory_space<vmem>>
    %dma_start3A_267 = tpu.memref_squeeze %dma_start3A_266 : memref<1x16x2048xf32, #tpu.memory_space<vmem>> -> memref<16x2048xf32, #tpu.memory_space<vmem>>
    tpu.enqueue_dma source(%dma_start3A_267 : memref<16x2048xf32, #tpu.memory_space<vmem>>) target(%dma_start3A_263 : memref<16x2048xf32, #tpu.memory_space<hbm>>) target_semaphore(%dma_start3A_260 : memref<!tpu.dma_semaphore, #tpu.memory_space<semaphore_mem>>)
    %dma_start3A_268 = arith.constant 1 : i32
    %dma_start3A_269 = arith.constant 1 : i32
    %dma_start3A_270 = arith.constant 0 : i32
    %dma_start3A_271 = arith.constant 0 : i32
    %dma_start3A_272 = tpu.memref_slice %arg4[%dma_start3A_268, %dma_start3A_270, %dma_start3A_271] : memref<2x16x2048xf32, #tpu.memory_space<vmem>> -> memref<1x16x2048xf32, #tpu.memory_space<vmem>>
    %dma_start3A_273 = tpu.memref_squeeze %dma_start3A_272 : memref<1x16x2048xf32, #tpu.memory_space<vmem>> -> memref<16x2048xf32, #tpu.memory_space<vmem>>
    %dma_start3A_274 = arith.constant 0 : i32
    %dma_start3A_275 = tpu.memref_slice %arg3[%rem3A_45, %add3A_47, %dma_start3A_274] : memref<4x2048x2048xf32, #tpu.memory_space<hbm>> -> memref<1x16x2048xf32, #tpu.memory_space<hbm>>
    %dma_start3A_276 = tpu.memref_squeeze %dma_start3A_275 : memref<1x16x2048xf32, #tpu.memory_space<hbm>> -> memref<16x2048xf32, #tpu.memory_space<hbm>>
    %dma_start3A_277 = tpu.memref_slice %arg6[%dma_start3A_269] : memref<2x!tpu.dma_semaphore, #tpu.memory_space<semaphore_mem>> -> memref<1x!tpu.dma_semaphore, #tpu.memory_space<semaphore_mem>>
    %dma_start3A_278 = tpu.memref_squeeze %dma_start3A_277 : memref<1x!tpu.dma_semaphore, #tpu.memory_space<semaphore_mem>> -> memref<!tpu.dma_semaphore, #tpu.memory_space<semaphore_mem>>
    %dma_start3A_279 = arith.constant 0 : i32
    %dma_start3A_280 = tpu.memref_slice %arg3[%rem3A_45, %add3A_47, %dma_start3A_279] : memref<4x2048x2048xf32, #tpu.memory_space<hbm>> -> memref<1x16x2048xf32, #tpu.memory_space<hbm>>
    %dma_start3A_281 = tpu.memref_squeeze %dma_start3A_280 : memref<1x16x2048xf32, #tpu.memory_space<hbm>> -> memref<16x2048xf32, #tpu.memory_space<hbm>>
    %dma_start3A_282 = arith.constant 0 : i32
    %dma_start3A_283 = arith.constant 0 : i32
    %dma_start3A_284 = tpu.memref_slice %arg4[%dma_start3A_268, %dma_start3A_282, %dma_start3A_283] : memref<2x16x2048xf32, #tpu.memory_space<vmem>> -> memref<1x16x2048xf32, #tpu.memory_space<vmem>>
    %dma_start3A_285 = tpu.memref_squeeze %dma_start3A_284 : memref<1x16x2048xf32, #tpu.memory_space<vmem>> -> memref<16x2048xf32, #tpu.memory_space<vmem>>
    tpu.enqueue_dma source(%dma_start3A_285 : memref<16x2048xf32, #tpu.memory_space<vmem>>) target(%dma_start3A_281 : memref<16x2048xf32, #tpu.memory_space<hbm>>) target_semaphore(%dma_start3A_278 : memref<!tpu.dma_semaphore, #tpu.memory_space<semaphore_mem>>)
    %dma_start3A_286 = arith.constant 1 : i32
    %dma_start3A_287 = arith.constant 1 : i32
    %dma_start3A_288 = arith.constant 0 : i32
    %dma_start3A_289 = arith.constant 0 : i32
    %dma_start3A_290 = tpu.memref_slice %arg4[%dma_start3A_286, %dma_start3A_288, %dma_start3A_289] : memref<2x16x2048xf32, #tpu.memory_space<vmem>> -> memref<1x16x2048xf32, #tpu.memory_space<vmem>>
    %dma_start3A_291 = tpu.memref_squeeze %dma_start3A_290 : memref<1x16x2048xf32, #tpu.memory_space<vmem>> -> memref<16x2048xf32, #tpu.memory_space<vmem>>
    %dma_start3A_292 = arith.constant 0 : i32
    %dma_start3A_293 = tpu.memref_slice %arg3[%rem3A_51, %add3A_53, %dma_start3A_292] : memref<4x2048x2048xf32, #tpu.memory_space<hbm>> -> memref<1x16x2048xf32, #tpu.memory_space<hbm>>
    %dma_start3A_294 = tpu.memref_squeeze %dma_start3A_293 : memref<1x16x2048xf32, #tpu.memory_space<hbm>> -> memref<16x2048xf32, #tpu.memory_space<hbm>>
    %dma_start3A_295 = tpu.memref_slice %arg6[%dma_start3A_287] : memref<2x!tpu.dma_semaphore, #tpu.memory_space<semaphore_mem>> -> memref<1x!tpu.dma_semaphore, #tpu.memory_space<semaphore_mem>>
    %dma_start3A_296 = tpu.memref_squeeze %dma_start3A_295 : memref<1x!tpu.dma_semaphore, #tpu.memory_space<semaphore_mem>> -> memref<!tpu.dma_semaphore, #tpu.memory_space<semaphore_mem>>
    %dma_start3A_297 = arith.constant 0 : i32
    %dma_start3A_298 = tpu.memref_slice %arg3[%rem3A_51, %add3A_53, %dma_start3A_297] : memref<4x2048x2048xf32, #tpu.memory_space<hbm>> -> memref<1x16x2048xf32, #tpu.memory_space<hbm>>
    %dma_start3A_299 = tpu.memref_squeeze %dma_start3A_298 : memref<1x16x2048xf32, #tpu.memory_space<hbm>> -> memref<16x2048xf32, #tpu.memory_space<hbm>>
    %dma_start3A_300 = arith.constant 0 : i32
    %dma_start3A_301 = arith.constant 0 : i32
    %dma_start3A_302 = tpu.memref_slice %arg4[%dma_start3A_286, %dma_start3A_300, %dma_start3A_301] : memref<2x16x2048xf32, #tpu.memory_space<vmem>> -> memref<1x16x2048xf32, #tpu.memory_space<vmem>>
    %dma_start3A_303 = tpu.memref_squeeze %dma_start3A_302 : memref<1x16x2048xf32, #tpu.memory_space<vmem>> -> memref<16x2048xf32, #tpu.memory_space<vmem>>
    tpu.enqueue_dma source(%dma_start3A_303 : memref<16x2048xf32, #tpu.memory_space<vmem>>) target(%dma_start3A_299 : memref<16x2048xf32, #tpu.memory_space<hbm>>) target_semaphore(%dma_start3A_296 : memref<!tpu.dma_semaphore, #tpu.memory_space<semaphore_mem>>)
    %dma_start3A_304 = arith.constant 1 : i32
    %dma_start3A_305 = arith.constant 1 : i32
    %dma_start3A_306 = arith.constant 0 : i32
    %dma_start3A_307 = arith.constant 0 : i32
    %dma_start3A_308 = tpu.memref_slice %arg4[%dma_start3A_304, %dma_start3A_306, %dma_start3A_307] : memref<2x16x2048xf32, #tpu.memory_space<vmem>> -> memref<1x16x2048xf32, #tpu.memory_space<vmem>>
    %dma_start3A_309 = tpu.memref_squeeze %dma_start3A_308 : memref<1x16x2048xf32, #tpu.memory_space<vmem>> -> memref<16x2048xf32, #tpu.memory_space<vmem>>
    %dma_start3A_310 = arith.constant 0 : i32
    %dma_start3A_311 = tpu.memref_slice %arg3[%rem3A_57, %add3A_59, %dma_start3A_310] : memref<4x2048x2048xf32, #tpu.memory_space<hbm>> -> memref<1x16x2048xf32, #tpu.memory_space<hbm>>
    %dma_start3A_312 = tpu.memref_squeeze %dma_start3A_311 : memref<1x16x2048xf32, #tpu.memory_space<hbm>> -> memref<16x2048xf32, #tpu.memory_space<hbm>>
    %dma_start3A_313 = tpu.memref_slice %arg6[%dma_start3A_305] : memref<2x!tpu.dma_semaphore, #tpu.memory_space<semaphore_mem>> -> memref<1x!tpu.dma_semaphore, #tpu.memory_space<semaphore_mem>>
    %dma_start3A_314 = tpu.memref_squeeze %dma_start3A_313 : memref<1x!tpu.dma_semaphore, #tpu.memory_space<semaphore_mem>> -> memref<!tpu.dma_semaphore, #tpu.memory_space<semaphore_mem>>
    %dma_start3A_315 = arith.constant 0 : i32
    %dma_start3A_316 = tpu.memref_slice %arg3[%rem3A_57, %add3A_59, %dma_start3A_315] : memref<4x2048x2048xf32, #tpu.memory_space<hbm>> -> memref<1x16x2048xf32, #tpu.memory_space<hbm>>
    %dma_start3A_317 = tpu.memref_squeeze %dma_start3A_316 : memref<1x16x2048xf32, #tpu.memory_space<hbm>> -> memref<16x2048xf32, #tpu.memory_space<hbm>>
    %dma_start3A_318 = arith.constant 0 : i32
    %dma_start3A_319 = arith.constant 0 : i32
    %dma_start3A_320 = tpu.memref_slice %arg4[%dma_start3A_304, %dma_start3A_318, %dma_start3A_319] : memref<2x16x2048xf32, #tpu.memory_space<vmem>> -> memref<1x16x2048xf32, #tpu.memory_space<vmem>>
    %dma_start3A_321 = tpu.memref_squeeze %dma_start3A_320 : memref<1x16x2048xf32, #tpu.memory_space<vmem>> -> memref<16x2048xf32, #tpu.memory_space<vmem>>
    tpu.enqueue_dma source(%dma_start3A_321 : memref<16x2048xf32, #tpu.memory_space<vmem>>) target(%dma_start3A_317 : memref<16x2048xf32, #tpu.memory_space<hbm>>) target_semaphore(%dma_start3A_314 : memref<!tpu.dma_semaphore, #tpu.memory_space<semaphore_mem>>)
    %dma_wait3A_322 = arith.constant 0 : i32
    %dma_wait3A_323 = arith.constant 0 : i32
    %dma_wait3A_324 = arith.constant 0 : i32
    %dma_wait3A_325 = arith.constant 0 : i32
    %dma_wait3A_326 = tpu.memref_slice %arg4[%dma_wait3A_322, %dma_wait3A_324, %dma_wait3A_325] : memref<2x16x2048xf32, #tpu.memory_space<vmem>> -> memref<1x16x2048xf32, #tpu.memory_space<vmem>>
    %dma_wait3A_327 = tpu.memref_squeeze %dma_wait3A_326 : memref<1x16x2048xf32, #tpu.memory_space<vmem>> -> memref<16x2048xf32, #tpu.memory_space<vmem>>
    %dma_wait3A_328 = arith.constant 0 : i32
    %dma_wait3A_329 = tpu.memref_slice %arg3[%rem3A_15, %add3A_17, %dma_wait3A_328] : memref<4x2048x2048xf32, #tpu.memory_space<hbm>> -> memref<1x16x2048xf32, #tpu.memory_space<hbm>>
    %dma_wait3A_330 = tpu.memref_squeeze %dma_wait3A_329 : memref<1x16x2048xf32, #tpu.memory_space<hbm>> -> memref<16x2048xf32, #tpu.memory_space<hbm>>
    %dma_wait3A_331 = tpu.memref_slice %arg6[%dma_wait3A_323] : memref<2x!tpu.dma_semaphore, #tpu.memory_space<semaphore_mem>> -> memref<1x!tpu.dma_semaphore, #tpu.memory_space<semaphore_mem>>
    %dma_wait3A_332 = tpu.memref_squeeze %dma_wait3A_331 : memref<1x!tpu.dma_semaphore, #tpu.memory_space<semaphore_mem>> -> memref<!tpu.dma_semaphore, #tpu.memory_space<semaphore_mem>>
    %dma_wait3A_333 = arith.constant 0 : i32
    %dma_wait3A_334 = tpu.memref_slice %arg3[%rem3A_15, %add3A_17, %dma_wait3A_333] : memref<4x2048x2048xf32, #tpu.memory_space<hbm>> -> memref<1x16x2048xf32, #tpu.memory_space<hbm>>
    %dma_wait3A_335 = tpu.memref_squeeze %dma_wait3A_334 : memref<1x16x2048xf32, #tpu.memory_space<hbm>> -> memref<16x2048xf32, #tpu.memory_space<hbm>>
    %dma_wait3A_336 = arith.constant 0 : i32
    %dma_wait3A_337 = arith.constant 0 : i32
    %dma_wait3A_338 = tpu.memref_slice %arg4[%dma_wait3A_322, %dma_wait3A_336, %dma_wait3A_337] : memref<2x16x2048xf32, #tpu.memory_space<vmem>> -> memref<1x16x2048xf32, #tpu.memory_space<vmem>>
    %dma_wait3A_339 = tpu.memref_squeeze %dma_wait3A_338 : memref<1x16x2048xf32, #tpu.memory_space<vmem>> -> memref<16x2048xf32, #tpu.memory_space<vmem>>
    tpu.wait_dma2 semaphore(%dma_wait3A_332 : memref<!tpu.dma_semaphore, #tpu.memory_space<semaphore_mem>>) src(%dma_wait3A_339 : memref<16x2048xf32, #tpu.memory_space<vmem>>) dst(%dma_wait3A_335 : memref<16x2048xf32, #tpu.memory_space<hbm>>)
    %dma_wait3A_340 = arith.constant 0 : i32
    %dma_wait3A_341 = arith.constant 0 : i32
    %dma_wait3A_342 = arith.constant 0 : i32
    %dma_wait3A_343 = arith.constant 0 : i32
    %dma_wait3A_344 = tpu.memref_slice %arg4[%dma_wait3A_340, %dma_wait3A_342, %dma_wait3A_343] : memref<2x16x2048xf32, #tpu.memory_space<vmem>> -> memref<1x16x2048xf32, #tpu.memory_space<vmem>>
    %dma_wait3A_345 = tpu.memref_squeeze %dma_wait3A_344 : memref<1x16x2048xf32, #tpu.memory_space<vmem>> -> memref<16x2048xf32, #tpu.memory_space<vmem>>
    %dma_wait3A_346 = arith.constant 0 : i32
    %dma_wait3A_347 = tpu.memref_slice %arg3[%rem3A_21, %add3A_23, %dma_wait3A_346] : memref<4x2048x2048xf32, #tpu.memory_space<hbm>> -> memref<1x16x2048xf32, #tpu.memory_space<hbm>>
    %dma_wait3A_348 = tpu.memref_squeeze %dma_wait3A_347 : memref<1x16x2048xf32, #tpu.memory_space<hbm>> -> memref<16x2048xf32, #tpu.memory_space<hbm>>
    %dma_wait3A_349 = tpu.memref_slice %arg6[%dma_wait3A_341] : memref<2x!tpu.dma_semaphore, #tpu.memory_space<semaphore_mem>> -> memref<1x!tpu.dma_semaphore, #tpu.memory_space<semaphore_mem>>
    %dma_wait3A_350 = tpu.memref_squeeze %dma_wait3A_349 : memref<1x!tpu.dma_semaphore, #tpu.memory_space<semaphore_mem>> -> memref<!tpu.dma_semaphore, #tpu.memory_space<semaphore_mem>>
    %dma_wait3A_351 = arith.constant 0 : i32
    %dma_wait3A_352 = tpu.memref_slice %arg3[%rem3A_21, %add3A_23, %dma_wait3A_351] : memref<4x2048x2048xf32, #tpu.memory_space<hbm>> -> memref<1x16x2048xf32, #tpu.memory_space<hbm>>
    %dma_wait3A_353 = tpu.memref_squeeze %dma_wait3A_352 : memref<1x16x2048xf32, #tpu.memory_space<hbm>> -> memref<16x2048xf32, #tpu.memory_space<hbm>>
    %dma_wait3A_354 = arith.constant 0 : i32
    %dma_wait3A_355 = arith.constant 0 : i32
    %dma_wait3A_356 = tpu.memref_slice %arg4[%dma_wait3A_340, %dma_wait3A_354, %dma_wait3A_355] : memref<2x16x2048xf32, #tpu.memory_space<vmem>> -> memref<1x16x2048xf32, #tpu.memory_space<vmem>>
    %dma_wait3A_357 = tpu.memref_squeeze %dma_wait3A_356 : memref<1x16x2048xf32, #tpu.memory_space<vmem>> -> memref<16x2048xf32, #tpu.memory_space<vmem>>
    tpu.wait_dma2 semaphore(%dma_wait3A_350 : memref<!tpu.dma_semaphore, #tpu.memory_space<semaphore_mem>>) src(%dma_wait3A_357 : memref<16x2048xf32, #tpu.memory_space<vmem>>) dst(%dma_wait3A_353 : memref<16x2048xf32, #tpu.memory_space<hbm>>)
    %dma_wait3A_358 = arith.constant 0 : i32
    %dma_wait3A_359 = arith.constant 0 : i32
    %dma_wait3A_360 = arith.constant 0 : i32
    %dma_wait3A_361 = arith.constant 0 : i32
    %dma_wait3A_362 = tpu.memref_slice %arg4[%dma_wait3A_358, %dma_wait3A_360, %dma_wait3A_361] : memref<2x16x2048xf32, #tpu.memory_space<vmem>> -> memref<1x16x2048xf32, #tpu.memory_space<vmem>>
    %dma_wait3A_363 = tpu.memref_squeeze %dma_wait3A_362 : memref<1x16x2048xf32, #tpu.memory_space<vmem>> -> memref<16x2048xf32, #tpu.memory_space<vmem>>
    %dma_wait3A_364 = arith.constant 0 : i32
    %dma_wait3A_365 = tpu.memref_slice %arg3[%rem3A_27, %add3A_29, %dma_wait3A_364] : memref<4x2048x2048xf32, #tpu.memory_space<hbm>> -> memref<1x16x2048xf32, #tpu.memory_space<hbm>>
    %dma_wait3A_366 = tpu.memref_squeeze %dma_wait3A_365 : memref<1x16x2048xf32, #tpu.memory_space<hbm>> -> memref<16x2048xf32, #tpu.memory_space<hbm>>
    %dma_wait3A_367 = tpu.memref_slice %arg6[%dma_wait3A_359] : memref<2x!tpu.dma_semaphore, #tpu.memory_space<semaphore_mem>> -> memref<1x!tpu.dma_semaphore, #tpu.memory_space<semaphore_mem>>
    %dma_wait3A_368 = tpu.memref_squeeze %dma_wait3A_367 : memref<1x!tpu.dma_semaphore, #tpu.memory_space<semaphore_mem>> -> memref<!tpu.dma_semaphore, #tpu.memory_space<semaphore_mem>>
    %dma_wait3A_369 = arith.constant 0 : i32
    %dma_wait3A_370 = tpu.memref_slice %arg3[%rem3A_27, %add3A_29, %dma_wait3A_369] : memref<4x2048x2048xf32, #tpu.memory_space<hbm>> -> memref<1x16x2048xf32, #tpu.memory_space<hbm>>
    %dma_wait3A_371 = tpu.memref_squeeze %dma_wait3A_370 : memref<1x16x2048xf32, #tpu.memory_space<hbm>> -> memref<16x2048xf32, #tpu.memory_space<hbm>>
    %dma_wait3A_372 = arith.constant 0 : i32
    %dma_wait3A_373 = arith.constant 0 : i32
    %dma_wait3A_374 = tpu.memref_slice %arg4[%dma_wait3A_358, %dma_wait3A_372, %dma_wait3A_373] : memref<2x16x2048xf32, #tpu.memory_space<vmem>> -> memref<1x16x2048xf32, #tpu.memory_space<vmem>>
    %dma_wait3A_375 = tpu.memref_squeeze %dma_wait3A_374 : memref<1x16x2048xf32, #tpu.memory_space<vmem>> -> memref<16x2048xf32, #tpu.memory_space<vmem>>
    tpu.wait_dma2 semaphore(%dma_wait3A_368 : memref<!tpu.dma_semaphore, #tpu.memory_space<semaphore_mem>>) src(%dma_wait3A_375 : memref<16x2048xf32, #tpu.memory_space<vmem>>) dst(%dma_wait3A_371 : memref<16x2048xf32, #tpu.memory_space<hbm>>)
    %dma_wait3A_376 = arith.constant 0 : i32
    %dma_wait3A_377 = arith.constant 0 : i32
    %dma_wait3A_378 = arith.constant 0 : i32
    %dma_wait3A_379 = arith.constant 0 : i32
    %dma_wait3A_380 = tpu.memref_slice %arg4[%dma_wait3A_376, %dma_wait3A_378, %dma_wait3A_379] : memref<2x16x2048xf32, #tpu.memory_space<vmem>> -> memref<1x16x2048xf32, #tpu.memory_space<vmem>>
    %dma_wait3A_381 = tpu.memref_squeeze %dma_wait3A_380 : memref<1x16x2048xf32, #tpu.memory_space<vmem>> -> memref<16x2048xf32, #tpu.memory_space<vmem>>
    %dma_wait3A_382 = arith.constant 0 : i32
    %dma_wait3A_383 = tpu.memref_slice %arg3[%rem3A_33, %add3A_35, %dma_wait3A_382] : memref<4x2048x2048xf32, #tpu.memory_space<hbm>> -> memref<1x16x2048xf32, #tpu.memory_space<hbm>>
    %dma_wait3A_384 = tpu.memref_squeeze %dma_wait3A_383 : memref<1x16x2048xf32, #tpu.memory_space<hbm>> -> memref<16x2048xf32, #tpu.memory_space<hbm>>
    %dma_wait3A_385 = tpu.memref_slice %arg6[%dma_wait3A_377] : memref<2x!tpu.dma_semaphore, #tpu.memory_space<semaphore_mem>> -> memref<1x!tpu.dma_semaphore, #tpu.memory_space<semaphore_mem>>
    %dma_wait3A_386 = tpu.memref_squeeze %dma_wait3A_385 : memref<1x!tpu.dma_semaphore, #tpu.memory_space<semaphore_mem>> -> memref<!tpu.dma_semaphore, #tpu.memory_space<semaphore_mem>>
    %dma_wait3A_387 = arith.constant 0 : i32
    %dma_wait3A_388 = tpu.memref_slice %arg3[%rem3A_33, %add3A_35, %dma_wait3A_387] : memref<4x2048x2048xf32, #tpu.memory_space<hbm>> -> memref<1x16x2048xf32, #tpu.memory_space<hbm>>
    %dma_wait3A_389 = tpu.memref_squeeze %dma_wait3A_388 : memref<1x16x2048xf32, #tpu.memory_space<hbm>> -> memref<16x2048xf32, #tpu.memory_space<hbm>>
    %dma_wait3A_390 = arith.constant 0 : i32
    %dma_wait3A_391 = arith.constant 0 : i32
    %dma_wait3A_392 = tpu.memref_slice %arg4[%dma_wait3A_376, %dma_wait3A_390, %dma_wait3A_391] : memref<2x16x2048xf32, #tpu.memory_space<vmem>> -> memref<1x16x2048xf32, #tpu.memory_space<vmem>>
    %dma_wait3A_393 = tpu.memref_squeeze %dma_wait3A_392 : memref<1x16x2048xf32, #tpu.memory_space<vmem>> -> memref<16x2048xf32, #tpu.memory_space<vmem>>
    tpu.wait_dma2 semaphore(%dma_wait3A_386 : memref<!tpu.dma_semaphore, #tpu.memory_space<semaphore_mem>>) src(%dma_wait3A_393 : memref<16x2048xf32, #tpu.memory_space<vmem>>) dst(%dma_wait3A_389 : memref<16x2048xf32, #tpu.memory_space<hbm>>)
    %add3A_394 = arith.constant 32 : i32
    %add3A_395 = arith.addi %mul3A_2, %add3A_394 : i32
    %dma_start3A_396 = arith.constant 0 : i32
    %dma_start3A_397 = arith.constant 0 : i32
    %dma_start3A_398 = arith.constant 0 : i32
    %dma_start3A_399 = arith.constant 0 : i32
    %dma_start3A_400 = tpu.memref_slice %arg4[%dma_start3A_396, %dma_start3A_398, %dma_start3A_399] : memref<2x16x2048xf32, #tpu.memory_space<vmem>> -> memref<1x16x2048xf32, #tpu.memory_space<vmem>>
    %dma_start3A_401 = tpu.memref_squeeze %dma_start3A_400 : memref<1x16x2048xf32, #tpu.memory_space<vmem>> -> memref<16x2048xf32, #tpu.memory_space<vmem>>
    %dma_start3A_402 = arith.constant 0 : i32
    %dma_start3A_403 = tpu.memref_slice %arg2[%add3A_395, %dma_start3A_402] : memref<2048x2048xf32, #tpu.memory_space<hbm>> -> memref<16x2048xf32, #tpu.memory_space<hbm>>
    %dma_start3A_404 = tpu.memref_slice %arg5[%dma_start3A_397] : memref<2x!tpu.dma_semaphore, #tpu.memory_space<semaphore_mem>> -> memref<1x!tpu.dma_semaphore, #tpu.memory_space<semaphore_mem>>
    %dma_start3A_405 = tpu.memref_squeeze %dma_start3A_404 : memref<1x!tpu.dma_semaphore, #tpu.memory_space<semaphore_mem>> -> memref<!tpu.dma_semaphore, #tpu.memory_space<semaphore_mem>>
    %dma_start3A_406 = arith.constant 0 : i32
    %dma_start3A_407 = arith.constant 0 : i32
    %dma_start3A_408 = tpu.memref_slice %arg4[%dma_start3A_396, %dma_start3A_406, %dma_start3A_407] : memref<2x16x2048xf32, #tpu.memory_space<vmem>> -> memref<1x16x2048xf32, #tpu.memory_space<vmem>>
    %dma_start3A_409 = tpu.memref_squeeze %dma_start3A_408 : memref<1x16x2048xf32, #tpu.memory_space<vmem>> -> memref<16x2048xf32, #tpu.memory_space<vmem>>
    %dma_start3A_410 = arith.constant 0 : i32
    %dma_start3A_411 = tpu.memref_slice %arg2[%add3A_395, %dma_start3A_410] : memref<2048x2048xf32, #tpu.memory_space<hbm>> -> memref<16x2048xf32, #tpu.memory_space<hbm>>
    tpu.enqueue_dma source(%dma_start3A_411 : memref<16x2048xf32, #tpu.memory_space<hbm>>) target(%dma_start3A_409 : memref<16x2048xf32, #tpu.memory_space<vmem>>) target_semaphore(%dma_start3A_405 : memref<!tpu.dma_semaphore, #tpu.memory_space<semaphore_mem>>)
    %add3A_412 = arith.constant 32 : i32
    %add3A_413 = arith.addi %mul3A_2, %add3A_412 : i32
    %dma_wait3A_414 = arith.constant 0 : i32
    %dma_wait3A_415 = arith.constant 0 : i32
    %dma_wait3A_416 = arith.constant 0 : i32
    %dma_wait3A_417 = arith.constant 0 : i32
    %dma_wait3A_418 = tpu.memref_slice %arg4[%dma_wait3A_414, %dma_wait3A_416, %dma_wait3A_417] : memref<2x16x2048xf32, #tpu.memory_space<vmem>> -> memref<1x16x2048xf32, #tpu.memory_space<vmem>>
    %dma_wait3A_419 = tpu.memref_squeeze %dma_wait3A_418 : memref<1x16x2048xf32, #tpu.memory_space<vmem>> -> memref<16x2048xf32, #tpu.memory_space<vmem>>
    %dma_wait3A_420 = arith.constant 0 : i32
    %dma_wait3A_421 = tpu.memref_slice %arg2[%add3A_413, %dma_wait3A_420] : memref<2048x2048xf32, #tpu.memory_space<hbm>> -> memref<16x2048xf32, #tpu.memory_space<hbm>>
    %dma_wait3A_422 = tpu.memref_slice %arg5[%dma_wait3A_415] : memref<2x!tpu.dma_semaphore, #tpu.memory_space<semaphore_mem>> -> memref<1x!tpu.dma_semaphore, #tpu.memory_space<semaphore_mem>>
    %dma_wait3A_423 = tpu.memref_squeeze %dma_wait3A_422 : memref<1x!tpu.dma_semaphore, #tpu.memory_space<semaphore_mem>> -> memref<!tpu.dma_semaphore, #tpu.memory_space<semaphore_mem>>
    %dma_wait3A_424 = arith.constant 0 : i32
    %dma_wait3A_425 = arith.constant 0 : i32
    %dma_wait3A_426 = tpu.memref_slice %arg4[%dma_wait3A_414, %dma_wait3A_424, %dma_wait3A_425] : memref<2x16x2048xf32, #tpu.memory_space<vmem>> -> memref<1x16x2048xf32, #tpu.memory_space<vmem>>
    %dma_wait3A_427 = tpu.memref_squeeze %dma_wait3A_426 : memref<1x16x2048xf32, #tpu.memory_space<vmem>> -> memref<16x2048xf32, #tpu.memory_space<vmem>>
    %dma_wait3A_428 = arith.constant 0 : i32
    %dma_wait3A_429 = tpu.memref_slice %arg2[%add3A_413, %dma_wait3A_428] : memref<2048x2048xf32, #tpu.memory_space<hbm>> -> memref<16x2048xf32, #tpu.memory_space<hbm>>
    tpu.wait_dma2 semaphore(%dma_wait3A_423 : memref<!tpu.dma_semaphore, #tpu.memory_space<semaphore_mem>>) src(%dma_wait3A_429 : memref<16x2048xf32, #tpu.memory_space<hbm>>) dst(%dma_wait3A_427 : memref<16x2048xf32, #tpu.memory_space<vmem>>)
    %dma_start3A_430 = arith.constant 0 : i32
    %dma_start3A_431 = arith.constant 0 : i32
    %dma_start3A_432 = arith.constant 0 : i32
    %dma_start3A_433 = arith.constant 0 : i32
    %dma_start3A_434 = tpu.memref_slice %arg4[%dma_start3A_430, %dma_start3A_432, %dma_start3A_433] : memref<2x16x2048xf32, #tpu.memory_space<vmem>> -> memref<1x16x2048xf32, #tpu.memory_space<vmem>>
    %dma_start3A_435 = tpu.memref_squeeze %dma_start3A_434 : memref<1x16x2048xf32, #tpu.memory_space<vmem>> -> memref<16x2048xf32, #tpu.memory_space<vmem>>
    %dma_start3A_436 = arith.constant 0 : i32
    %dma_start3A_437 = tpu.memref_slice %arg3[%rem3A_63, %add3A_65, %dma_start3A_436] : memref<4x2048x2048xf32, #tpu.memory_space<hbm>> -> memref<1x16x2048xf32, #tpu.memory_space<hbm>>
    %dma_start3A_438 = tpu.memref_squeeze %dma_start3A_437 : memref<1x16x2048xf32, #tpu.memory_space<hbm>> -> memref<16x2048xf32, #tpu.memory_space<hbm>>
    %dma_start3A_439 = tpu.memref_slice %arg6[%dma_start3A_431] : memref<2x!tpu.dma_semaphore, #tpu.memory_space<semaphore_mem>> -> memref<1x!tpu.dma_semaphore, #tpu.memory_space<semaphore_mem>>
    %dma_start3A_440 = tpu.memref_squeeze %dma_start3A_439 : memref<1x!tpu.dma_semaphore, #tpu.memory_space<semaphore_mem>> -> memref<!tpu.dma_semaphore, #tpu.memory_space<semaphore_mem>>
    %dma_start3A_441 = arith.constant 0 : i32
    %dma_start3A_442 = tpu.memref_slice %arg3[%rem3A_63, %add3A_65, %dma_start3A_441] : memref<4x2048x2048xf32, #tpu.memory_space<hbm>> -> memref<1x16x2048xf32, #tpu.memory_space<hbm>>
    %dma_start3A_443 = tpu.memref_squeeze %dma_start3A_442 : memref<1x16x2048xf32, #tpu.memory_space<hbm>> -> memref<16x2048xf32, #tpu.memory_space<hbm>>
    %dma_start3A_444 = arith.constant 0 : i32
    %dma_start3A_445 = arith.constant 0 : i32
    %dma_start3A_446 = tpu.memref_slice %arg4[%dma_start3A_430, %dma_start3A_444, %dma_start3A_445] : memref<2x16x2048xf32, #tpu.memory_space<vmem>> -> memref<1x16x2048xf32, #tpu.memory_space<vmem>>
    %dma_start3A_447 = tpu.memref_squeeze %dma_start3A_446 : memref<1x16x2048xf32, #tpu.memory_space<vmem>> -> memref<16x2048xf32, #tpu.memory_space<vmem>>
    tpu.enqueue_dma source(%dma_start3A_447 : memref<16x2048xf32, #tpu.memory_space<vmem>>) target(%dma_start3A_443 : memref<16x2048xf32, #tpu.memory_space<hbm>>) target_semaphore(%dma_start3A_440 : memref<!tpu.dma_semaphore, #tpu.memory_space<semaphore_mem>>)
    %dma_start3A_448 = arith.constant 0 : i32
    %dma_start3A_449 = arith.constant 0 : i32
    %dma_start3A_450 = arith.constant 0 : i32
    %dma_start3A_451 = arith.constant 0 : i32
    %dma_start3A_452 = tpu.memref_slice %arg4[%dma_start3A_448, %dma_start3A_450, %dma_start3A_451] : memref<2x16x2048xf32, #tpu.memory_space<vmem>> -> memref<1x16x2048xf32, #tpu.memory_space<vmem>>
    %dma_start3A_453 = tpu.memref_squeeze %dma_start3A_452 : memref<1x16x2048xf32, #tpu.memory_space<vmem>> -> memref<16x2048xf32, #tpu.memory_space<vmem>>
    %dma_start3A_454 = arith.constant 0 : i32
    %dma_start3A_455 = tpu.memref_slice %arg3[%rem3A_69, %add3A_71, %dma_start3A_454] : memref<4x2048x2048xf32, #tpu.memory_space<hbm>> -> memref<1x16x2048xf32, #tpu.memory_space<hbm>>
    %dma_start3A_456 = tpu.memref_squeeze %dma_start3A_455 : memref<1x16x2048xf32, #tpu.memory_space<hbm>> -> memref<16x2048xf32, #tpu.memory_space<hbm>>
    %dma_start3A_457 = tpu.memref_slice %arg6[%dma_start3A_449] : memref<2x!tpu.dma_semaphore, #tpu.memory_space<semaphore_mem>> -> memref<1x!tpu.dma_semaphore, #tpu.memory_space<semaphore_mem>>
    %dma_start3A_458 = tpu.memref_squeeze %dma_start3A_457 : memref<1x!tpu.dma_semaphore, #tpu.memory_space<semaphore_mem>> -> memref<!tpu.dma_semaphore, #tpu.memory_space<semaphore_mem>>
    %dma_start3A_459 = arith.constant 0 : i32
    %dma_start3A_460 = tpu.memref_slice %arg3[%rem3A_69, %add3A_71, %dma_start3A_459] : memref<4x2048x2048xf32, #tpu.memory_space<hbm>> -> memref<1x16x2048xf32, #tpu.memory_space<hbm>>
    %dma_start3A_461 = tpu.memref_squeeze %dma_start3A_460 : memref<1x16x2048xf32, #tpu.memory_space<hbm>> -> memref<16x2048xf32, #tpu.memory_space<hbm>>
    %dma_start3A_462 = arith.constant 0 : i32
    %dma_start3A_463 = arith.constant 0 : i32
    %dma_start3A_464 = tpu.memref_slice %arg4[%dma_start3A_448, %dma_start3A_462, %dma_start3A_463] : memref<2x16x2048xf32, #tpu.memory_space<vmem>> -> memref<1x16x2048xf32, #tpu.memory_space<vmem>>
    %dma_start3A_465 = tpu.memref_squeeze %dma_start3A_464 : memref<1x16x2048xf32, #tpu.memory_space<vmem>> -> memref<16x2048xf32, #tpu.memory_space<vmem>>
    tpu.enqueue_dma source(%dma_start3A_465 : memref<16x2048xf32, #tpu.memory_space<vmem>>) target(%dma_start3A_461 : memref<16x2048xf32, #tpu.memory_space<hbm>>) target_semaphore(%dma_start3A_458 : memref<!tpu.dma_semaphore, #tpu.memory_space<semaphore_mem>>)
    %dma_start3A_466 = arith.constant 0 : i32
    %dma_start3A_467 = arith.constant 0 : i32
    %dma_start3A_468 = arith.constant 0 : i32
    %dma_start3A_469 = arith.constant 0 : i32
    %dma_start3A_470 = tpu.memref_slice %arg4[%dma_start3A_466, %dma_start3A_468, %dma_start3A_469] : memref<2x16x2048xf32, #tpu.memory_space<vmem>> -> memref<1x16x2048xf32, #tpu.memory_space<vmem>>
    %dma_start3A_471 = tpu.memref_squeeze %dma_start3A_470 : memref<1x16x2048xf32, #tpu.memory_space<vmem>> -> memref<16x2048xf32, #tpu.memory_space<vmem>>
    %dma_start3A_472 = arith.constant 0 : i32
    %dma_start3A_473 = tpu.memref_slice %arg3[%rem3A_75, %add3A_77, %dma_start3A_472] : memref<4x2048x2048xf32, #tpu.memory_space<hbm>> -> memref<1x16x2048xf32, #tpu.memory_space<hbm>>
    %dma_start3A_474 = tpu.memref_squeeze %dma_start3A_473 : memref<1x16x2048xf32, #tpu.memory_space<hbm>> -> memref<16x2048xf32, #tpu.memory_space<hbm>>
    %dma_start3A_475 = tpu.memref_slice %arg6[%dma_start3A_467] : memref<2x!tpu.dma_semaphore, #tpu.memory_space<semaphore_mem>> -> memref<1x!tpu.dma_semaphore, #tpu.memory_space<semaphore_mem>>
    %dma_start3A_476 = tpu.memref_squeeze %dma_start3A_475 : memref<1x!tpu.dma_semaphore, #tpu.memory_space<semaphore_mem>> -> memref<!tpu.dma_semaphore, #tpu.memory_space<semaphore_mem>>
    %dma_start3A_477 = arith.constant 0 : i32
    %dma_start3A_478 = tpu.memref_slice %arg3[%rem3A_75, %add3A_77, %dma_start3A_477] : memref<4x2048x2048xf32, #tpu.memory_space<hbm>> -> memref<1x16x2048xf32, #tpu.memory_space<hbm>>
    %dma_start3A_479 = tpu.memref_squeeze %dma_start3A_478 : memref<1x16x2048xf32, #tpu.memory_space<hbm>> -> memref<16x2048xf32, #tpu.memory_space<hbm>>
    %dma_start3A_480 = arith.constant 0 : i32
    %dma_start3A_481 = arith.constant 0 : i32
    %dma_start3A_482 = tpu.memref_slice %arg4[%dma_start3A_466, %dma_start3A_480, %dma_start3A_481] : memref<2x16x2048xf32, #tpu.memory_space<vmem>> -> memref<1x16x2048xf32, #tpu.memory_space<vmem>>
    %dma_start3A_483 = tpu.memref_squeeze %dma_start3A_482 : memref<1x16x2048xf32, #tpu.memory_space<vmem>> -> memref<16x2048xf32, #tpu.memory_space<vmem>>
    tpu.enqueue_dma source(%dma_start3A_483 : memref<16x2048xf32, #tpu.memory_space<vmem>>) target(%dma_start3A_479 : memref<16x2048xf32, #tpu.memory_space<hbm>>) target_semaphore(%dma_start3A_476 : memref<!tpu.dma_semaphore, #tpu.memory_space<semaphore_mem>>)
    %dma_start3A_484 = arith.constant 0 : i32
    %dma_start3A_485 = arith.constant 0 : i32
    %dma_start3A_486 = arith.constant 0 : i32
    %dma_start3A_487 = arith.constant 0 : i32
    %dma_start3A_488 = tpu.memref_slice %arg4[%dma_start3A_484, %dma_start3A_486, %dma_start3A_487] : memref<2x16x2048xf32, #tpu.memory_space<vmem>> -> memref<1x16x2048xf32, #tpu.memory_space<vmem>>
    %dma_start3A_489 = tpu.memref_squeeze %dma_start3A_488 : memref<1x16x2048xf32, #tpu.memory_space<vmem>> -> memref<16x2048xf32, #tpu.memory_space<vmem>>
    %dma_start3A_490 = arith.constant 0 : i32
    %dma_start3A_491 = tpu.memref_slice %arg3[%rem3A_81, %add3A_83, %dma_start3A_490] : memref<4x2048x2048xf32, #tpu.memory_space<hbm>> -> memref<1x16x2048xf32, #tpu.memory_space<hbm>>
    %dma_start3A_492 = tpu.memref_squeeze %dma_start3A_491 : memref<1x16x2048xf32, #tpu.memory_space<hbm>> -> memref<16x2048xf32, #tpu.memory_space<hbm>>
    %dma_start3A_493 = tpu.memref_slice %arg6[%dma_start3A_485] : memref<2x!tpu.dma_semaphore, #tpu.memory_space<semaphore_mem>> -> memref<1x!tpu.dma_semaphore, #tpu.memory_space<semaphore_mem>>
    %dma_start3A_494 = tpu.memref_squeeze %dma_start3A_493 : memref<1x!tpu.dma_semaphore, #tpu.memory_space<semaphore_mem>> -> memref<!tpu.dma_semaphore, #tpu.memory_space<semaphore_mem>>
    %dma_start3A_495 = arith.constant 0 : i32
    %dma_start3A_496 = tpu.memref_slice %arg3[%rem3A_81, %add3A_83, %dma_start3A_495] : memref<4x2048x2048xf32, #tpu.memory_space<hbm>> -> memref<1x16x2048xf32, #tpu.memory_space<hbm>>
    %dma_start3A_497 = tpu.memref_squeeze %dma_start3A_496 : memref<1x16x2048xf32, #tpu.memory_space<hbm>> -> memref<16x2048xf32, #tpu.memory_space<hbm>>
    %dma_start3A_498 = arith.constant 0 : i32
    %dma_start3A_499 = arith.constant 0 : i32
    %dma_start3A_500 = tpu.memref_slice %arg4[%dma_start3A_484, %dma_start3A_498, %dma_start3A_499] : memref<2x16x2048xf32, #tpu.memory_space<vmem>> -> memref<1x16x2048xf32, #tpu.memory_space<vmem>>
    %dma_start3A_501 = tpu.memref_squeeze %dma_start3A_500 : memref<1x16x2048xf32, #tpu.memory_space<vmem>> -> memref<16x2048xf32, #tpu.memory_space<vmem>>
    tpu.enqueue_dma source(%dma_start3A_501 : memref<16x2048xf32, #tpu.memory_space<vmem>>) target(%dma_start3A_497 : memref<16x2048xf32, #tpu.memory_space<hbm>>) target_semaphore(%dma_start3A_494 : memref<!tpu.dma_semaphore, #tpu.memory_space<semaphore_mem>>)
    %dma_wait3A_502 = arith.constant 1 : i32
    %dma_wait3A_503 = arith.constant 1 : i32
    %dma_wait3A_504 = arith.constant 0 : i32
    %dma_wait3A_505 = arith.constant 0 : i32
    %dma_wait3A_506 = tpu.memref_slice %arg4[%dma_wait3A_502, %dma_wait3A_504, %dma_wait3A_505] : memref<2x16x2048xf32, #tpu.memory_space<vmem>> -> memref<1x16x2048xf32, #tpu.memory_space<vmem>>
    %dma_wait3A_507 = tpu.memref_squeeze %dma_wait3A_506 : memref<1x16x2048xf32, #tpu.memory_space<vmem>> -> memref<16x2048xf32, #tpu.memory_space<vmem>>
    %dma_wait3A_508 = arith.constant 0 : i32
    %dma_wait3A_509 = tpu.memref_slice %arg3[%rem3A_39, %add3A_41, %dma_wait3A_508] : memref<4x2048x2048xf32, #tpu.memory_space<hbm>> -> memref<1x16x2048xf32, #tpu.memory_space<hbm>>
    %dma_wait3A_510 = tpu.memref_squeeze %dma_wait3A_509 : memref<1x16x2048xf32, #tpu.memory_space<hbm>> -> memref<16x2048xf32, #tpu.memory_space<hbm>>
    %dma_wait3A_511 = tpu.memref_slice %arg6[%dma_wait3A_503] : memref<2x!tpu.dma_semaphore, #tpu.memory_space<semaphore_mem>> -> memref<1x!tpu.dma_semaphore, #tpu.memory_space<semaphore_mem>>
    %dma_wait3A_512 = tpu.memref_squeeze %dma_wait3A_511 : memref<1x!tpu.dma_semaphore, #tpu.memory_space<semaphore_mem>> -> memref<!tpu.dma_semaphore, #tpu.memory_space<semaphore_mem>>
    %dma_wait3A_513 = arith.constant 0 : i32
    %dma_wait3A_514 = tpu.memref_slice %arg3[%rem3A_39, %add3A_41, %dma_wait3A_513] : memref<4x2048x2048xf32, #tpu.memory_space<hbm>> -> memref<1x16x2048xf32, #tpu.memory_space<hbm>>
    %dma_wait3A_515 = tpu.memref_squeeze %dma_wait3A_514 : memref<1x16x2048xf32, #tpu.memory_space<hbm>> -> memref<16x2048xf32, #tpu.memory_space<hbm>>
    %dma_wait3A_516 = arith.constant 0 : i32
    %dma_wait3A_517 = arith.constant 0 : i32
    %dma_wait3A_518 = tpu.memref_slice %arg4[%dma_wait3A_502, %dma_wait3A_516, %dma_wait3A_517] : memref<2x16x2048xf32, #tpu.memory_space<vmem>> -> memref<1x16x2048xf32, #tpu.memory_space<vmem>>
    %dma_wait3A_519 = tpu.memref_squeeze %dma_wait3A_518 : memref<1x16x2048xf32, #tpu.memory_space<vmem>> -> memref<16x2048xf32, #tpu.memory_space<vmem>>
    tpu.wait_dma2 semaphore(%dma_wait3A_512 : memref<!tpu.dma_semaphore, #tpu.memory_space<semaphore_mem>>) src(%dma_wait3A_519 : memref<16x2048xf32, #tpu.memory_space<vmem>>) dst(%dma_wait3A_515 : memref<16x2048xf32, #tpu.memory_space<hbm>>)
    %dma_wait3A_520 = arith.constant 1 : i32
    %dma_wait3A_521 = arith.constant 1 : i32
    %dma_wait3A_522 = arith.constant 0 : i32
    %dma_wait3A_523 = arith.constant 0 : i32
    %dma_wait3A_524 = tpu.memref_slice %arg4[%dma_wait3A_520, %dma_wait3A_522, %dma_wait3A_523] : memref<2x16x2048xf32, #tpu.memory_space<vmem>> -> memref<1x16x2048xf32, #tpu.memory_space<vmem>>
    %dma_wait3A_525 = tpu.memref_squeeze %dma_wait3A_524 : memref<1x16x2048xf32, #tpu.memory_space<vmem>> -> memref<16x2048xf32, #tpu.memory_space<vmem>>
    %dma_wait3A_526 = arith.constant 0 : i32
    %dma_wait3A_527 = tpu.memref_slice %arg3[%rem3A_45, %add3A_47, %dma_wait3A_526] : memref<4x2048x2048xf32, #tpu.memory_space<hbm>> -> memref<1x16x2048xf32, #tpu.memory_space<hbm>>
    %dma_wait3A_528 = tpu.memref_squeeze %dma_wait3A_527 : memref<1x16x2048xf32, #tpu.memory_space<hbm>> -> memref<16x2048xf32, #tpu.memory_space<hbm>>
    %dma_wait3A_529 = tpu.memref_slice %arg6[%dma_wait3A_521] : memref<2x!tpu.dma_semaphore, #tpu.memory_space<semaphore_mem>> -> memref<1x!tpu.dma_semaphore, #tpu.memory_space<semaphore_mem>>
    %dma_wait3A_530 = tpu.memref_squeeze %dma_wait3A_529 : memref<1x!tpu.dma_semaphore, #tpu.memory_space<semaphore_mem>> -> memref<!tpu.dma_semaphore, #tpu.memory_space<semaphore_mem>>
    %dma_wait3A_531 = arith.constant 0 : i32
    %dma_wait3A_532 = tpu.memref_slice %arg3[%rem3A_45, %add3A_47, %dma_wait3A_531] : memref<4x2048x2048xf32, #tpu.memory_space<hbm>> -> memref<1x16x2048xf32, #tpu.memory_space<hbm>>
    %dma_wait3A_533 = tpu.memref_squeeze %dma_wait3A_532 : memref<1x16x2048xf32, #tpu.memory_space<hbm>> -> memref<16x2048xf32, #tpu.memory_space<hbm>>
    %dma_wait3A_534 = arith.constant 0 : i32
    %dma_wait3A_535 = arith.constant 0 : i32
    %dma_wait3A_536 = tpu.memref_slice %arg4[%dma_wait3A_520, %dma_wait3A_534, %dma_wait3A_535] : memref<2x16x2048xf32, #tpu.memory_space<vmem>> -> memref<1x16x2048xf32, #tpu.memory_space<vmem>>
    %dma_wait3A_537 = tpu.memref_squeeze %dma_wait3A_536 : memref<1x16x2048xf32, #tpu.memory_space<vmem>> -> memref<16x2048xf32, #tpu.memory_space<vmem>>
    tpu.wait_dma2 semaphore(%dma_wait3A_530 : memref<!tpu.dma_semaphore, #tpu.memory_space<semaphore_mem>>) src(%dma_wait3A_537 : memref<16x2048xf32, #tpu.memory_space<vmem>>) dst(%dma_wait3A_533 : memref<16x2048xf32, #tpu.memory_space<hbm>>)
    %dma_wait3A_538 = arith.constant 1 : i32
    %dma_wait3A_539 = arith.constant 1 : i32
    %dma_wait3A_540 = arith.constant 0 : i32
    %dma_wait3A_541 = arith.constant 0 : i32
    %dma_wait3A_542 = tpu.memref_slice %arg4[%dma_wait3A_538, %dma_wait3A_540, %dma_wait3A_541] : memref<2x16x2048xf32, #tpu.memory_space<vmem>> -> memref<1x16x2048xf32, #tpu.memory_space<vmem>>
    %dma_wait3A_543 = tpu.memref_squeeze %dma_wait3A_542 : memref<1x16x2048xf32, #tpu.memory_space<vmem>> -> memref<16x2048xf32, #tpu.memory_space<vmem>>
    %dma_wait3A_544 = arith.constant 0 : i32
    %dma_wait3A_545 = tpu.memref_slice %arg3[%rem3A_51, %add3A_53, %dma_wait3A_544] : memref<4x2048x2048xf32, #tpu.memory_space<hbm>> -> memref<1x16x2048xf32, #tpu.memory_space<hbm>>
    %dma_wait3A_546 = tpu.memref_squeeze %dma_wait3A_545 : memref<1x16x2048xf32, #tpu.memory_space<hbm>> -> memref<16x2048xf32, #tpu.memory_space<hbm>>
    %dma_wait3A_547 = tpu.memref_slice %arg6[%dma_wait3A_539] : memref<2x!tpu.dma_semaphore, #tpu.memory_space<semaphore_mem>> -> memref<1x!tpu.dma_semaphore, #tpu.memory_space<semaphore_mem>>
    %dma_wait3A_548 = tpu.memref_squeeze %dma_wait3A_547 : memref<1x!tpu.dma_semaphore, #tpu.memory_space<semaphore_mem>> -> memref<!tpu.dma_semaphore, #tpu.memory_space<semaphore_mem>>
    %dma_wait3A_549 = arith.constant 0 : i32
    %dma_wait3A_550 = tpu.memref_slice %arg3[%rem3A_51, %add3A_53, %dma_wait3A_549] : memref<4x2048x2048xf32, #tpu.memory_space<hbm>> -> memref<1x16x2048xf32, #tpu.memory_space<hbm>>
    %dma_wait3A_551 = tpu.memref_squeeze %dma_wait3A_550 : memref<1x16x2048xf32, #tpu.memory_space<hbm>> -> memref<16x2048xf32, #tpu.memory_space<hbm>>
    %dma_wait3A_552 = arith.constant 0 : i32
    %dma_wait3A_553 = arith.constant 0 : i32
    %dma_wait3A_554 = tpu.memref_slice %arg4[%dma_wait3A_538, %dma_wait3A_552, %dma_wait3A_553] : memref<2x16x2048xf32, #tpu.memory_space<vmem>> -> memref<1x16x2048xf32, #tpu.memory_space<vmem>>
    %dma_wait3A_555 = tpu.memref_squeeze %dma_wait3A_554 : memref<1x16x2048xf32, #tpu.memory_space<vmem>> -> memref<16x2048xf32, #tpu.memory_space<vmem>>
    tpu.wait_dma2 semaphore(%dma_wait3A_548 : memref<!tpu.dma_semaphore, #tpu.memory_space<semaphore_mem>>) src(%dma_wait3A_555 : memref<16x2048xf32, #tpu.memory_space<vmem>>) dst(%dma_wait3A_551 : memref<16x2048xf32, #tpu.memory_space<hbm>>)
    %dma_wait3A_556 = arith.constant 1 : i32
    %dma_wait3A_557 = arith.constant 1 : i32
    %dma_wait3A_558 = arith.constant 0 : i32
    %dma_wait3A_559 = arith.constant 0 : i32
    %dma_wait3A_560 = tpu.memref_slice %arg4[%dma_wait3A_556, %dma_wait3A_558, %dma_wait3A_559] : memref<2x16x2048xf32, #tpu.memory_space<vmem>> -> memref<1x16x2048xf32, #tpu.memory_space<vmem>>
    %dma_wait3A_561 = tpu.memref_squeeze %dma_wait3A_560 : memref<1x16x2048xf32, #tpu.memory_space<vmem>> -> memref<16x2048xf32, #tpu.memory_space<vmem>>
    %dma_wait3A_562 = arith.constant 0 : i32
    %dma_wait3A_563 = tpu.memref_slice %arg3[%rem3A_57, %add3A_59, %dma_wait3A_562] : memref<4x2048x2048xf32, #tpu.memory_space<hbm>> -> memref<1x16x2048xf32, #tpu.memory_space<hbm>>
    %dma_wait3A_564 = tpu.memref_squeeze %dma_wait3A_563 : memref<1x16x2048xf32, #tpu.memory_space<hbm>> -> memref<16x2048xf32, #tpu.memory_space<hbm>>
    %dma_wait3A_565 = tpu.memref_slice %arg6[%dma_wait3A_557] : memref<2x!tpu.dma_semaphore, #tpu.memory_space<semaphore_mem>> -> memref<1x!tpu.dma_semaphore, #tpu.memory_space<semaphore_mem>>
    %dma_wait3A_566 = tpu.memref_squeeze %dma_wait3A_565 : memref<1x!tpu.dma_semaphore, #tpu.memory_space<semaphore_mem>> -> memref<!tpu.dma_semaphore, #tpu.memory_space<semaphore_mem>>
    %dma_wait3A_567 = arith.constant 0 : i32
    %dma_wait3A_568 = tpu.memref_slice %arg3[%rem3A_57, %add3A_59, %dma_wait3A_567] : memref<4x2048x2048xf32, #tpu.memory_space<hbm>> -> memref<1x16x2048xf32, #tpu.memory_space<hbm>>
    %dma_wait3A_569 = tpu.memref_squeeze %dma_wait3A_568 : memref<1x16x2048xf32, #tpu.memory_space<hbm>> -> memref<16x2048xf32, #tpu.memory_space<hbm>>
    %dma_wait3A_570 = arith.constant 0 : i32
    %dma_wait3A_571 = arith.constant 0 : i32
    %dma_wait3A_572 = tpu.memref_slice %arg4[%dma_wait3A_556, %dma_wait3A_570, %dma_wait3A_571] : memref<2x16x2048xf32, #tpu.memory_space<vmem>> -> memref<1x16x2048xf32, #tpu.memory_space<vmem>>
    %dma_wait3A_573 = tpu.memref_squeeze %dma_wait3A_572 : memref<1x16x2048xf32, #tpu.memory_space<vmem>> -> memref<16x2048xf32, #tpu.memory_space<vmem>>
    tpu.wait_dma2 semaphore(%dma_wait3A_566 : memref<!tpu.dma_semaphore, #tpu.memory_space<semaphore_mem>>) src(%dma_wait3A_573 : memref<16x2048xf32, #tpu.memory_space<vmem>>) dst(%dma_wait3A_569 : memref<16x2048xf32, #tpu.memory_space<hbm>>)
    %add3A_574 = arith.constant 48 : i32
    %add3A_575 = arith.addi %mul3A_2, %add3A_574 : i32
    %dma_start3A_576 = arith.constant 1 : i32
    %dma_start3A_577 = arith.constant 1 : i32
    %dma_start3A_578 = arith.constant 0 : i32
    %dma_start3A_579 = arith.constant 0 : i32
    %dma_start3A_580 = tpu.memref_slice %arg4[%dma_start3A_576, %dma_start3A_578, %dma_start3A_579] : memref<2x16x2048xf32, #tpu.memory_space<vmem>> -> memref<1x16x2048xf32, #tpu.memory_space<vmem>>
    %dma_start3A_581 = tpu.memref_squeeze %dma_start3A_580 : memref<1x16x2048xf32, #tpu.memory_space<vmem>> -> memref<16x2048xf32, #tpu.memory_space<vmem>>
    %dma_start3A_582 = arith.constant 0 : i32
    %dma_start3A_583 = tpu.memref_slice %arg2[%add3A_575, %dma_start3A_582] : memref<2048x2048xf32, #tpu.memory_space<hbm>> -> memref<16x2048xf32, #tpu.memory_space<hbm>>
    %dma_start3A_584 = tpu.memref_slice %arg5[%dma_start3A_577] : memref<2x!tpu.dma_semaphore, #tpu.memory_space<semaphore_mem>> -> memref<1x!tpu.dma_semaphore, #tpu.memory_space<semaphore_mem>>
    %dma_start3A_585 = tpu.memref_squeeze %dma_start3A_584 : memref<1x!tpu.dma_semaphore, #tpu.memory_space<semaphore_mem>> -> memref<!tpu.dma_semaphore, #tpu.memory_space<semaphore_mem>>
    %dma_start3A_586 = arith.constant 0 : i32
    %dma_start3A_587 = arith.constant 0 : i32
    %dma_start3A_588 = tpu.memref_slice %arg4[%dma_start3A_576, %dma_start3A_586, %dma_start3A_587] : memref<2x16x2048xf32, #tpu.memory_space<vmem>> -> memref<1x16x2048xf32, #tpu.memory_space<vmem>>
    %dma_start3A_589 = tpu.memref_squeeze %dma_start3A_588 : memref<1x16x2048xf32, #tpu.memory_space<vmem>> -> memref<16x2048xf32, #tpu.memory_space<vmem>>
    %dma_start3A_590 = arith.constant 0 : i32
    %dma_start3A_591 = tpu.memref_slice %arg2[%add3A_575, %dma_start3A_590] : memref<2048x2048xf32, #tpu.memory_space<hbm>> -> memref<16x2048xf32, #tpu.memory_space<hbm>>
    tpu.enqueue_dma source(%dma_start3A_591 : memref<16x2048xf32, #tpu.memory_space<hbm>>) target(%dma_start3A_589 : memref<16x2048xf32, #tpu.memory_space<vmem>>) target_semaphore(%dma_start3A_585 : memref<!tpu.dma_semaphore, #tpu.memory_space<semaphore_mem>>)
    %add3A_592 = arith.constant 48 : i32
    %add3A_593 = arith.addi %mul3A_2, %add3A_592 : i32
    %dma_wait3A_594 = arith.constant 1 : i32
    %dma_wait3A_595 = arith.constant 1 : i32
    %dma_wait3A_596 = arith.constant 0 : i32
    %dma_wait3A_597 = arith.constant 0 : i32
    %dma_wait3A_598 = tpu.memref_slice %arg4[%dma_wait3A_594, %dma_wait3A_596, %dma_wait3A_597] : memref<2x16x2048xf32, #tpu.memory_space<vmem>> -> memref<1x16x2048xf32, #tpu.memory_space<vmem>>
    %dma_wait3A_599 = tpu.memref_squeeze %dma_wait3A_598 : memref<1x16x2048xf32, #tpu.memory_space<vmem>> -> memref<16x2048xf32, #tpu.memory_space<vmem>>
    %dma_wait3A_600 = arith.constant 0 : i32
    %dma_wait3A_601 = tpu.memref_slice %arg2[%add3A_593, %dma_wait3A_600] : memref<2048x2048xf32, #tpu.memory_space<hbm>> -> memref<16x2048xf32, #tpu.memory_space<hbm>>
    %dma_wait3A_602 = tpu.memref_slice %arg5[%dma_wait3A_595] : memref<2x!tpu.dma_semaphore, #tpu.memory_space<semaphore_mem>> -> memref<1x!tpu.dma_semaphore, #tpu.memory_space<semaphore_mem>>
    %dma_wait3A_603 = tpu.memref_squeeze %dma_wait3A_602 : memref<1x!tpu.dma_semaphore, #tpu.memory_space<semaphore_mem>> -> memref<!tpu.dma_semaphore, #tpu.memory_space<semaphore_mem>>
    %dma_wait3A_604 = arith.constant 0 : i32
    %dma_wait3A_605 = arith.constant 0 : i32
    %dma_wait3A_606 = tpu.memref_slice %arg4[%dma_wait3A_594, %dma_wait3A_604, %dma_wait3A_605] : memref<2x16x2048xf32, #tpu.memory_space<vmem>> -> memref<1x16x2048xf32, #tpu.memory_space<vmem>>
    %dma_wait3A_607 = tpu.memref_squeeze %dma_wait3A_606 : memref<1x16x2048xf32, #tpu.memory_space<vmem>> -> memref<16x2048xf32, #tpu.memory_space<vmem>>
    %dma_wait3A_608 = arith.constant 0 : i32
    %dma_wait3A_609 = tpu.memref_slice %arg2[%add3A_593, %dma_wait3A_608] : memref<2048x2048xf32, #tpu.memory_space<hbm>> -> memref<16x2048xf32, #tpu.memory_space<hbm>>
    tpu.wait_dma2 semaphore(%dma_wait3A_603 : memref<!tpu.dma_semaphore, #tpu.memory_space<semaphore_mem>>) src(%dma_wait3A_609 : memref<16x2048xf32, #tpu.memory_space<hbm>>) dst(%dma_wait3A_607 : memref<16x2048xf32, #tpu.memory_space<vmem>>)
    %dma_start3A_610 = arith.constant 1 : i32
    %dma_start3A_611 = arith.constant 1 : i32
    %dma_start3A_612 = arith.constant 0 : i32
    %dma_start3A_613 = arith.constant 0 : i32
    %dma_start3A_614 = tpu.memref_slice %arg4[%dma_start3A_610, %dma_start3A_612, %dma_start3A_613] : memref<2x16x2048xf32, #tpu.memory_space<vmem>> -> memref<1x16x2048xf32, #tpu.memory_space<vmem>>
    %dma_start3A_615 = tpu.memref_squeeze %dma_start3A_614 : memref<1x16x2048xf32, #tpu.memory_space<vmem>> -> memref<16x2048xf32, #tpu.memory_space<vmem>>
    %dma_start3A_616 = arith.constant 0 : i32
    %dma_start3A_617 = tpu.memref_slice %arg3[%rem3A_87, %add3A_89, %dma_start3A_616] : memref<4x2048x2048xf32, #tpu.memory_space<hbm>> -> memref<1x16x2048xf32, #tpu.memory_space<hbm>>
    %dma_start3A_618 = tpu.memref_squeeze %dma_start3A_617 : memref<1x16x2048xf32, #tpu.memory_space<hbm>> -> memref<16x2048xf32, #tpu.memory_space<hbm>>
    %dma_start3A_619 = tpu.memref_slice %arg6[%dma_start3A_611] : memref<2x!tpu.dma_semaphore, #tpu.memory_space<semaphore_mem>> -> memref<1x!tpu.dma_semaphore, #tpu.memory_space<semaphore_mem>>
    %dma_start3A_620 = tpu.memref_squeeze %dma_start3A_619 : memref<1x!tpu.dma_semaphore, #tpu.memory_space<semaphore_mem>> -> memref<!tpu.dma_semaphore, #tpu.memory_space<semaphore_mem>>
    %dma_start3A_621 = arith.constant 0 : i32
    %dma_start3A_622 = tpu.memref_slice %arg3[%rem3A_87, %add3A_89, %dma_start3A_621] : memref<4x2048x2048xf32, #tpu.memory_space<hbm>> -> memref<1x16x2048xf32, #tpu.memory_space<hbm>>
    %dma_start3A_623 = tpu.memref_squeeze %dma_start3A_622 : memref<1x16x2048xf32, #tpu.memory_space<hbm>> -> memref<16x2048xf32, #tpu.memory_space<hbm>>
    %dma_start3A_624 = arith.constant 0 : i32
    %dma_start3A_625 = arith.constant 0 : i32
    %dma_start3A_626 = tpu.memref_slice %arg4[%dma_start3A_610, %dma_start3A_624, %dma_start3A_625] : memref<2x16x2048xf32, #tpu.memory_space<vmem>> -> memref<1x16x2048xf32, #tpu.memory_space<vmem>>
    %dma_start3A_627 = tpu.memref_squeeze %dma_start3A_626 : memref<1x16x2048xf32, #tpu.memory_space<vmem>> -> memref<16x2048xf32, #tpu.memory_space<vmem>>
    tpu.enqueue_dma source(%dma_start3A_627 : memref<16x2048xf32, #tpu.memory_space<vmem>>) target(%dma_start3A_623 : memref<16x2048xf32, #tpu.memory_space<hbm>>) target_semaphore(%dma_start3A_620 : memref<!tpu.dma_semaphore, #tpu.memory_space<semaphore_mem>>)
    %dma_start3A_628 = arith.constant 1 : i32
    %dma_start3A_629 = arith.constant 1 : i32
    %dma_start3A_630 = arith.constant 0 : i32
    %dma_start3A_631 = arith.constant 0 : i32
    %dma_start3A_632 = tpu.memref_slice %arg4[%dma_start3A_628, %dma_start3A_630, %dma_start3A_631] : memref<2x16x2048xf32, #tpu.memory_space<vmem>> -> memref<1x16x2048xf32, #tpu.memory_space<vmem>>
    %dma_start3A_633 = tpu.memref_squeeze %dma_start3A_632 : memref<1x16x2048xf32, #tpu.memory_space<vmem>> -> memref<16x2048xf32, #tpu.memory_space<vmem>>
    %dma_start3A_634 = arith.constant 0 : i32
    %dma_start3A_635 = tpu.memref_slice %arg3[%rem3A_93, %add3A_95, %dma_start3A_634] : memref<4x2048x2048xf32, #tpu.memory_space<hbm>> -> memref<1x16x2048xf32, #tpu.memory_space<hbm>>
    %dma_start3A_636 = tpu.memref_squeeze %dma_start3A_635 : memref<1x16x2048xf32, #tpu.memory_space<hbm>> -> memref<16x2048xf32, #tpu.memory_space<hbm>>
    %dma_start3A_637 = tpu.memref_slice %arg6[%dma_start3A_629] : memref<2x!tpu.dma_semaphore, #tpu.memory_space<semaphore_mem>> -> memref<1x!tpu.dma_semaphore, #tpu.memory_space<semaphore_mem>>
    %dma_start3A_638 = tpu.memref_squeeze %dma_start3A_637 : memref<1x!tpu.dma_semaphore, #tpu.memory_space<semaphore_mem>> -> memref<!tpu.dma_semaphore, #tpu.memory_space<semaphore_mem>>
    %dma_start3A_639 = arith.constant 0 : i32
    %dma_start3A_640 = tpu.memref_slice %arg3[%rem3A_93, %add3A_95, %dma_start3A_639] : memref<4x2048x2048xf32, #tpu.memory_space<hbm>> -> memref<1x16x2048xf32, #tpu.memory_space<hbm>>
    %dma_start3A_641 = tpu.memref_squeeze %dma_start3A_640 : memref<1x16x2048xf32, #tpu.memory_space<hbm>> -> memref<16x2048xf32, #tpu.memory_space<hbm>>
    %dma_start3A_642 = arith.constant 0 : i32
    %dma_start3A_643 = arith.constant 0 : i32
    %dma_start3A_644 = tpu.memref_slice %arg4[%dma_start3A_628, %dma_start3A_642, %dma_start3A_643] : memref<2x16x2048xf32, #tpu.memory_space<vmem>> -> memref<1x16x2048xf32, #tpu.memory_space<vmem>>
    %dma_start3A_645 = tpu.memref_squeeze %dma_start3A_644 : memref<1x16x2048xf32, #tpu.memory_space<vmem>> -> memref<16x2048xf32, #tpu.memory_space<vmem>>
    tpu.enqueue_dma source(%dma_start3A_645 : memref<16x2048xf32, #tpu.memory_space<vmem>>) target(%dma_start3A_641 : memref<16x2048xf32, #tpu.memory_space<hbm>>) target_semaphore(%dma_start3A_638 : memref<!tpu.dma_semaphore, #tpu.memory_space<semaphore_mem>>)
    %dma_start3A_646 = arith.constant 1 : i32
    %dma_start3A_647 = arith.constant 1 : i32
    %dma_start3A_648 = arith.constant 0 : i32
    %dma_start3A_649 = arith.constant 0 : i32
    %dma_start3A_650 = tpu.memref_slice %arg4[%dma_start3A_646, %dma_start3A_648, %dma_start3A_649] : memref<2x16x2048xf32, #tpu.memory_space<vmem>> -> memref<1x16x2048xf32, #tpu.memory_space<vmem>>
    %dma_start3A_651 = tpu.memref_squeeze %dma_start3A_650 : memref<1x16x2048xf32, #tpu.memory_space<vmem>> -> memref<16x2048xf32, #tpu.memory_space<vmem>>
    %dma_start3A_652 = arith.constant 0 : i32
    %dma_start3A_653 = tpu.memref_slice %arg3[%rem3A_99, %add3A_101, %dma_start3A_652] : memref<4x2048x2048xf32, #tpu.memory_space<hbm>> -> memref<1x16x2048xf32, #tpu.memory_space<hbm>>
    %dma_start3A_654 = tpu.memref_squeeze %dma_start3A_653 : memref<1x16x2048xf32, #tpu.memory_space<hbm>> -> memref<16x2048xf32, #tpu.memory_space<hbm>>
    %dma_start3A_655 = tpu.memref_slice %arg6[%dma_start3A_647] : memref<2x!tpu.dma_semaphore, #tpu.memory_space<semaphore_mem>> -> memref<1x!tpu.dma_semaphore, #tpu.memory_space<semaphore_mem>>
    %dma_start3A_656 = tpu.memref_squeeze %dma_start3A_655 : memref<1x!tpu.dma_semaphore, #tpu.memory_space<semaphore_mem>> -> memref<!tpu.dma_semaphore, #tpu.memory_space<semaphore_mem>>
    %dma_start3A_657 = arith.constant 0 : i32
    %dma_start3A_658 = tpu.memref_slice %arg3[%rem3A_99, %add3A_101, %dma_start3A_657] : memref<4x2048x2048xf32, #tpu.memory_space<hbm>> -> memref<1x16x2048xf32, #tpu.memory_space<hbm>>
    %dma_start3A_659 = tpu.memref_squeeze %dma_start3A_658 : memref<1x16x2048xf32, #tpu.memory_space<hbm>> -> memref<16x2048xf32, #tpu.memory_space<hbm>>
    %dma_start3A_660 = arith.constant 0 : i32
    %dma_start3A_661 = arith.constant 0 : i32
    %dma_start3A_662 = tpu.memref_slice %arg4[%dma_start3A_646, %dma_start3A_660, %dma_start3A_661] : memref<2x16x2048xf32, #tpu.memory_space<vmem>> -> memref<1x16x2048xf32, #tpu.memory_space<vmem>>
    %dma_start3A_663 = tpu.memref_squeeze %dma_start3A_662 : memref<1x16x2048xf32, #tpu.memory_space<vmem>> -> memref<16x2048xf32, #tpu.memory_space<vmem>>
    tpu.enqueue_dma source(%dma_start3A_663 : memref<16x2048xf32, #tpu.memory_space<vmem>>) target(%dma_start3A_659 : memref<16x2048xf32, #tpu.memory_space<hbm>>) target_semaphore(%dma_start3A_656 : memref<!tpu.dma_semaphore, #tpu.memory_space<semaphore_mem>>)
    %dma_start3A_664 = arith.constant 1 : i32
    %dma_start3A_665 = arith.constant 1 : i32
    %dma_start3A_666 = arith.constant 0 : i32
    %dma_start3A_667 = arith.constant 0 : i32
    %dma_start3A_668 = tpu.memref_slice %arg4[%dma_start3A_664, %dma_start3A_666, %dma_start3A_667] : memref<2x16x2048xf32, #tpu.memory_space<vmem>> -> memref<1x16x2048xf32, #tpu.memory_space<vmem>>
    %dma_start3A_669 = tpu.memref_squeeze %dma_start3A_668 : memref<1x16x2048xf32, #tpu.memory_space<vmem>> -> memref<16x2048xf32, #tpu.memory_space<vmem>>
    %dma_start3A_670 = arith.constant 0 : i32
    %dma_start3A_671 = tpu.memref_slice %arg3[%rem3A_105, %add3A_107, %dma_start3A_670] : memref<4x2048x2048xf32, #tpu.memory_space<hbm>> -> memref<1x16x2048xf32, #tpu.memory_space<hbm>>
    %dma_start3A_672 = tpu.memref_squeeze %dma_start3A_671 : memref<1x16x2048xf32, #tpu.memory_space<hbm>> -> memref<16x2048xf32, #tpu.memory_space<hbm>>
    %dma_start3A_673 = tpu.memref_slice %arg6[%dma_start3A_665] : memref<2x!tpu.dma_semaphore, #tpu.memory_space<semaphore_mem>> -> memref<1x!tpu.dma_semaphore, #tpu.memory_space<semaphore_mem>>
    %dma_start3A_674 = tpu.memref_squeeze %dma_start3A_673 : memref<1x!tpu.dma_semaphore, #tpu.memory_space<semaphore_mem>> -> memref<!tpu.dma_semaphore, #tpu.memory_space<semaphore_mem>>
    %dma_start3A_675 = arith.constant 0 : i32
    %dma_start3A_676 = tpu.memref_slice %arg3[%rem3A_105, %add3A_107, %dma_start3A_675] : memref<4x2048x2048xf32, #tpu.memory_space<hbm>> -> memref<1x16x2048xf32, #tpu.memory_space<hbm>>
    %dma_start3A_677 = tpu.memref_squeeze %dma_start3A_676 : memref<1x16x2048xf32, #tpu.memory_space<hbm>> -> memref<16x2048xf32, #tpu.memory_space<hbm>>
    %dma_start3A_678 = arith.constant 0 : i32
    %dma_start3A_679 = arith.constant 0 : i32
    %dma_start3A_680 = tpu.memref_slice %arg4[%dma_start3A_664, %dma_start3A_678, %dma_start3A_679] : memref<2x16x2048xf32, #tpu.memory_space<vmem>> -> memref<1x16x2048xf32, #tpu.memory_space<vmem>>
    %dma_start3A_681 = tpu.memref_squeeze %dma_start3A_680 : memref<1x16x2048xf32, #tpu.memory_space<vmem>> -> memref<16x2048xf32, #tpu.memory_space<vmem>>
    tpu.enqueue_dma source(%dma_start3A_681 : memref<16x2048xf32, #tpu.memory_space<vmem>>) target(%dma_start3A_677 : memref<16x2048xf32, #tpu.memory_space<hbm>>) target_semaphore(%dma_start3A_674 : memref<!tpu.dma_semaphore, #tpu.memory_space<semaphore_mem>>)
    %dma_wait3A_682 = arith.constant 0 : i32
    %dma_wait3A_683 = arith.constant 0 : i32
    %dma_wait3A_684 = arith.constant 0 : i32
    %dma_wait3A_685 = arith.constant 0 : i32
    %dma_wait3A_686 = tpu.memref_slice %arg4[%dma_wait3A_682, %dma_wait3A_684, %dma_wait3A_685] : memref<2x16x2048xf32, #tpu.memory_space<vmem>> -> memref<1x16x2048xf32, #tpu.memory_space<vmem>>
    %dma_wait3A_687 = tpu.memref_squeeze %dma_wait3A_686 : memref<1x16x2048xf32, #tpu.memory_space<vmem>> -> memref<16x2048xf32, #tpu.memory_space<vmem>>
    %dma_wait3A_688 = arith.constant 0 : i32
    %dma_wait3A_689 = tpu.memref_slice %arg3[%rem3A_63, %add3A_65, %dma_wait3A_688] : memref<4x2048x2048xf32, #tpu.memory_space<hbm>> -> memref<1x16x2048xf32, #tpu.memory_space<hbm>>
    %dma_wait3A_690 = tpu.memref_squeeze %dma_wait3A_689 : memref<1x16x2048xf32, #tpu.memory_space<hbm>> -> memref<16x2048xf32, #tpu.memory_space<hbm>>
    %dma_wait3A_691 = tpu.memref_slice %arg6[%dma_wait3A_683] : memref<2x!tpu.dma_semaphore, #tpu.memory_space<semaphore_mem>> -> memref<1x!tpu.dma_semaphore, #tpu.memory_space<semaphore_mem>>
    %dma_wait3A_692 = tpu.memref_squeeze %dma_wait3A_691 : memref<1x!tpu.dma_semaphore, #tpu.memory_space<semaphore_mem>> -> memref<!tpu.dma_semaphore, #tpu.memory_space<semaphore_mem>>
    %dma_wait3A_693 = arith.constant 0 : i32
    %dma_wait3A_694 = tpu.memref_slice %arg3[%rem3A_63, %add3A_65, %dma_wait3A_693] : memref<4x2048x2048xf32, #tpu.memory_space<hbm>> -> memref<1x16x2048xf32, #tpu.memory_space<hbm>>
    %dma_wait3A_695 = tpu.memref_squeeze %dma_wait3A_694 : memref<1x16x2048xf32, #tpu.memory_space<hbm>> -> memref<16x2048xf32, #tpu.memory_space<hbm>>
    %dma_wait3A_696 = arith.constant 0 : i32
    %dma_wait3A_697 = arith.constant 0 : i32
    %dma_wait3A_698 = tpu.memref_slice %arg4[%dma_wait3A_682, %dma_wait3A_696, %dma_wait3A_697] : memref<2x16x2048xf32, #tpu.memory_space<vmem>> -> memref<1x16x2048xf32, #tpu.memory_space<vmem>>
    %dma_wait3A_699 = tpu.memref_squeeze %dma_wait3A_698 : memref<1x16x2048xf32, #tpu.memory_space<vmem>> -> memref<16x2048xf32, #tpu.memory_space<vmem>>
    tpu.wait_dma2 semaphore(%dma_wait3A_692 : memref<!tpu.dma_semaphore, #tpu.memory_space<semaphore_mem>>) src(%dma_wait3A_699 : memref<16x2048xf32, #tpu.memory_space<vmem>>) dst(%dma_wait3A_695 : memref<16x2048xf32, #tpu.memory_space<hbm>>)
    %dma_wait3A_700 = arith.constant 0 : i32
    %dma_wait3A_701 = arith.constant 0 : i32
    %dma_wait3A_702 = arith.constant 0 : i32
    %dma_wait3A_703 = arith.constant 0 : i32
    %dma_wait3A_704 = tpu.memref_slice %arg4[%dma_wait3A_700, %dma_wait3A_702, %dma_wait3A_703] : memref<2x16x2048xf32, #tpu.memory_space<vmem>> -> memref<1x16x2048xf32, #tpu.memory_space<vmem>>
    %dma_wait3A_705 = tpu.memref_squeeze %dma_wait3A_704 : memref<1x16x2048xf32, #tpu.memory_space<vmem>> -> memref<16x2048xf32, #tpu.memory_space<vmem>>
    %dma_wait3A_706 = arith.constant 0 : i32
    %dma_wait3A_707 = tpu.memref_slice %arg3[%rem3A_69, %add3A_71, %dma_wait3A_706] : memref<4x2048x2048xf32, #tpu.memory_space<hbm>> -> memref<1x16x2048xf32, #tpu.memory_space<hbm>>
    %dma_wait3A_708 = tpu.memref_squeeze %dma_wait3A_707 : memref<1x16x2048xf32, #tpu.memory_space<hbm>> -> memref<16x2048xf32, #tpu.memory_space<hbm>>
    %dma_wait3A_709 = tpu.memref_slice %arg6[%dma_wait3A_701] : memref<2x!tpu.dma_semaphore, #tpu.memory_space<semaphore_mem>> -> memref<1x!tpu.dma_semaphore, #tpu.memory_space<semaphore_mem>>
    %dma_wait3A_710 = tpu.memref_squeeze %dma_wait3A_709 : memref<1x!tpu.dma_semaphore, #tpu.memory_space<semaphore_mem>> -> memref<!tpu.dma_semaphore, #tpu.memory_space<semaphore_mem>>
    %dma_wait3A_711 = arith.constant 0 : i32
    %dma_wait3A_712 = tpu.memref_slice %arg3[%rem3A_69, %add3A_71, %dma_wait3A_711] : memref<4x2048x2048xf32, #tpu.memory_space<hbm>> -> memref<1x16x2048xf32, #tpu.memory_space<hbm>>
    %dma_wait3A_713 = tpu.memref_squeeze %dma_wait3A_712 : memref<1x16x2048xf32, #tpu.memory_space<hbm>> -> memref<16x2048xf32, #tpu.memory_space<hbm>>
    %dma_wait3A_714 = arith.constant 0 : i32
    %dma_wait3A_715 = arith.constant 0 : i32
    %dma_wait3A_716 = tpu.memref_slice %arg4[%dma_wait3A_700, %dma_wait3A_714, %dma_wait3A_715] : memref<2x16x2048xf32, #tpu.memory_space<vmem>> -> memref<1x16x2048xf32, #tpu.memory_space<vmem>>
    %dma_wait3A_717 = tpu.memref_squeeze %dma_wait3A_716 : memref<1x16x2048xf32, #tpu.memory_space<vmem>> -> memref<16x2048xf32, #tpu.memory_space<vmem>>
    tpu.wait_dma2 semaphore(%dma_wait3A_710 : memref<!tpu.dma_semaphore, #tpu.memory_space<semaphore_mem>>) src(%dma_wait3A_717 : memref<16x2048xf32, #tpu.memory_space<vmem>>) dst(%dma_wait3A_713 : memref<16x2048xf32, #tpu.memory_space<hbm>>)
    %dma_wait3A_718 = arith.constant 0 : i32
    %dma_wait3A_719 = arith.constant 0 : i32
    %dma_wait3A_720 = arith.constant 0 : i32
    %dma_wait3A_721 = arith.constant 0 : i32
    %dma_wait3A_722 = tpu.memref_slice %arg4[%dma_wait3A_718, %dma_wait3A_720, %dma_wait3A_721] : memref<2x16x2048xf32, #tpu.memory_space<vmem>> -> memref<1x16x2048xf32, #tpu.memory_space<vmem>>
    %dma_wait3A_723 = tpu.memref_squeeze %dma_wait3A_722 : memref<1x16x2048xf32, #tpu.memory_space<vmem>> -> memref<16x2048xf32, #tpu.memory_space<vmem>>
    %dma_wait3A_724 = arith.constant 0 : i32
    %dma_wait3A_725 = tpu.memref_slice %arg3[%rem3A_75, %add3A_77, %dma_wait3A_724] : memref<4x2048x2048xf32, #tpu.memory_space<hbm>> -> memref<1x16x2048xf32, #tpu.memory_space<hbm>>
    %dma_wait3A_726 = tpu.memref_squeeze %dma_wait3A_725 : memref<1x16x2048xf32, #tpu.memory_space<hbm>> -> memref<16x2048xf32, #tpu.memory_space<hbm>>
    %dma_wait3A_727 = tpu.memref_slice %arg6[%dma_wait3A_719] : memref<2x!tpu.dma_semaphore, #tpu.memory_space<semaphore_mem>> -> memref<1x!tpu.dma_semaphore, #tpu.memory_space<semaphore_mem>>
    %dma_wait3A_728 = tpu.memref_squeeze %dma_wait3A_727 : memref<1x!tpu.dma_semaphore, #tpu.memory_space<semaphore_mem>> -> memref<!tpu.dma_semaphore, #tpu.memory_space<semaphore_mem>>
    %dma_wait3A_729 = arith.constant 0 : i32
    %dma_wait3A_730 = tpu.memref_slice %arg3[%rem3A_75, %add3A_77, %dma_wait3A_729] : memref<4x2048x2048xf32, #tpu.memory_space<hbm>> -> memref<1x16x2048xf32, #tpu.memory_space<hbm>>
    %dma_wait3A_731 = tpu.memref_squeeze %dma_wait3A_730 : memref<1x16x2048xf32, #tpu.memory_space<hbm>> -> memref<16x2048xf32, #tpu.memory_space<hbm>>
    %dma_wait3A_732 = arith.constant 0 : i32
    %dma_wait3A_733 = arith.constant 0 : i32
    %dma_wait3A_734 = tpu.memref_slice %arg4[%dma_wait3A_718, %dma_wait3A_732, %dma_wait3A_733] : memref<2x16x2048xf32, #tpu.memory_space<vmem>> -> memref<1x16x2048xf32, #tpu.memory_space<vmem>>
    %dma_wait3A_735 = tpu.memref_squeeze %dma_wait3A_734 : memref<1x16x2048xf32, #tpu.memory_space<vmem>> -> memref<16x2048xf32, #tpu.memory_space<vmem>>
    tpu.wait_dma2 semaphore(%dma_wait3A_728 : memref<!tpu.dma_semaphore, #tpu.memory_space<semaphore_mem>>) src(%dma_wait3A_735 : memref<16x2048xf32, #tpu.memory_space<vmem>>) dst(%dma_wait3A_731 : memref<16x2048xf32, #tpu.memory_space<hbm>>)
    %dma_wait3A_736 = arith.constant 0 : i32
    %dma_wait3A_737 = arith.constant 0 : i32
    %dma_wait3A_738 = arith.constant 0 : i32
    %dma_wait3A_739 = arith.constant 0 : i32
    %dma_wait3A_740 = tpu.memref_slice %arg4[%dma_wait3A_736, %dma_wait3A_738, %dma_wait3A_739] : memref<2x16x2048xf32, #tpu.memory_space<vmem>> -> memref<1x16x2048xf32, #tpu.memory_space<vmem>>
    %dma_wait3A_741 = tpu.memref_squeeze %dma_wait3A_740 : memref<1x16x2048xf32, #tpu.memory_space<vmem>> -> memref<16x2048xf32, #tpu.memory_space<vmem>>
    %dma_wait3A_742 = arith.constant 0 : i32
    %dma_wait3A_743 = tpu.memref_slice %arg3[%rem3A_81, %add3A_83, %dma_wait3A_742] : memref<4x2048x2048xf32, #tpu.memory_space<hbm>> -> memref<1x16x2048xf32, #tpu.memory_space<hbm>>
    %dma_wait3A_744 = tpu.memref_squeeze %dma_wait3A_743 : memref<1x16x2048xf32, #tpu.memory_space<hbm>> -> memref<16x2048xf32, #tpu.memory_space<hbm>>
    %dma_wait3A_745 = tpu.memref_slice %arg6[%dma_wait3A_737] : memref<2x!tpu.dma_semaphore, #tpu.memory_space<semaphore_mem>> -> memref<1x!tpu.dma_semaphore, #tpu.memory_space<semaphore_mem>>
    %dma_wait3A_746 = tpu.memref_squeeze %dma_wait3A_745 : memref<1x!tpu.dma_semaphore, #tpu.memory_space<semaphore_mem>> -> memref<!tpu.dma_semaphore, #tpu.memory_space<semaphore_mem>>
    %dma_wait3A_747 = arith.constant 0 : i32
    %dma_wait3A_748 = tpu.memref_slice %arg3[%rem3A_81, %add3A_83, %dma_wait3A_747] : memref<4x2048x2048xf32, #tpu.memory_space<hbm>> -> memref<1x16x2048xf32, #tpu.memory_space<hbm>>
    %dma_wait3A_749 = tpu.memref_squeeze %dma_wait3A_748 : memref<1x16x2048xf32, #tpu.memory_space<hbm>> -> memref<16x2048xf32, #tpu.memory_space<hbm>>
    %dma_wait3A_750 = arith.constant 0 : i32
    %dma_wait3A_751 = arith.constant 0 : i32
    %dma_wait3A_752 = tpu.memref_slice %arg4[%dma_wait3A_736, %dma_wait3A_750, %dma_wait3A_751] : memref<2x16x2048xf32, #tpu.memory_space<vmem>> -> memref<1x16x2048xf32, #tpu.memory_space<vmem>>
    %dma_wait3A_753 = tpu.memref_squeeze %dma_wait3A_752 : memref<1x16x2048xf32, #tpu.memory_space<vmem>> -> memref<16x2048xf32, #tpu.memory_space<vmem>>
    tpu.wait_dma2 semaphore(%dma_wait3A_746 : memref<!tpu.dma_semaphore, #tpu.memory_space<semaphore_mem>>) src(%dma_wait3A_753 : memref<16x2048xf32, #tpu.memory_space<vmem>>) dst(%dma_wait3A_749 : memref<16x2048xf32, #tpu.memory_space<hbm>>)
    %dma_wait3A_754 = arith.constant 1 : i32
    %dma_wait3A_755 = arith.constant 1 : i32
    %dma_wait3A_756 = arith.constant 0 : i32
    %dma_wait3A_757 = arith.constant 0 : i32
    %dma_wait3A_758 = tpu.memref_slice %arg4[%dma_wait3A_754, %dma_wait3A_756, %dma_wait3A_757] : memref<2x16x2048xf32, #tpu.memory_space<vmem>> -> memref<1x16x2048xf32, #tpu.memory_space<vmem>>
    %dma_wait3A_759 = tpu.memref_squeeze %dma_wait3A_758 : memref<1x16x2048xf32, #tpu.memory_space<vmem>> -> memref<16x2048xf32, #tpu.memory_space<vmem>>
    %dma_wait3A_760 = arith.constant 0 : i32
    %dma_wait3A_761 = tpu.memref_slice %arg3[%rem3A_87, %add3A_89, %dma_wait3A_760] : memref<4x2048x2048xf32, #tpu.memory_space<hbm>> -> memref<1x16x2048xf32, #tpu.memory_space<hbm>>
    %dma_wait3A_762 = tpu.memref_squeeze %dma_wait3A_761 : memref<1x16x2048xf32, #tpu.memory_space<hbm>> -> memref<16x2048xf32, #tpu.memory_space<hbm>>
    %dma_wait3A_763 = tpu.memref_slice %arg6[%dma_wait3A_755] : memref<2x!tpu.dma_semaphore, #tpu.memory_space<semaphore_mem>> -> memref<1x!tpu.dma_semaphore, #tpu.memory_space<semaphore_mem>>
    %dma_wait3A_764 = tpu.memref_squeeze %dma_wait3A_763 : memref<1x!tpu.dma_semaphore, #tpu.memory_space<semaphore_mem>> -> memref<!tpu.dma_semaphore, #tpu.memory_space<semaphore_mem>>
    %dma_wait3A_765 = arith.constant 0 : i32
    %dma_wait3A_766 = tpu.memref_slice %arg3[%rem3A_87, %add3A_89, %dma_wait3A_765] : memref<4x2048x2048xf32, #tpu.memory_space<hbm>> -> memref<1x16x2048xf32, #tpu.memory_space<hbm>>
    %dma_wait3A_767 = tpu.memref_squeeze %dma_wait3A_766 : memref<1x16x2048xf32, #tpu.memory_space<hbm>> -> memref<16x2048xf32, #tpu.memory_space<hbm>>
    %dma_wait3A_768 = arith.constant 0 : i32
    %dma_wait3A_769 = arith.constant 0 : i32
    %dma_wait3A_770 = tpu.memref_slice %arg4[%dma_wait3A_754, %dma_wait3A_768, %dma_wait3A_769] : memref<2x16x2048xf32, #tpu.memory_space<vmem>> -> memref<1x16x2048xf32, #tpu.memory_space<vmem>>
    %dma_wait3A_771 = tpu.memref_squeeze %dma_wait3A_770 : memref<1x16x2048xf32, #tpu.memory_space<vmem>> -> memref<16x2048xf32, #tpu.memory_space<vmem>>
    tpu.wait_dma2 semaphore(%dma_wait3A_764 : memref<!tpu.dma_semaphore, #tpu.memory_space<semaphore_mem>>) src(%dma_wait3A_771 : memref<16x2048xf32, #tpu.memory_space<vmem>>) dst(%dma_wait3A_767 : memref<16x2048xf32, #tpu.memory_space<hbm>>)
    %dma_wait3A_772 = arith.constant 1 : i32
    %dma_wait3A_773 = arith.constant 1 : i32
    %dma_wait3A_774 = arith.constant 0 : i32
    %dma_wait3A_775 = arith.constant 0 : i32
    %dma_wait3A_776 = tpu.memref_slice %arg4[%dma_wait3A_772, %dma_wait3A_774, %dma_wait3A_775] : memref<2x16x2048xf32, #tpu.memory_space<vmem>> -> memref<1x16x2048xf32, #tpu.memory_space<vmem>>
    %dma_wait3A_777 = tpu.memref_squeeze %dma_wait3A_776 : memref<1x16x2048xf32, #tpu.memory_space<vmem>> -> memref<16x2048xf32, #tpu.memory_space<vmem>>
    %dma_wait3A_778 = arith.constant 0 : i32
    %dma_wait3A_779 = tpu.memref_slice %arg3[%rem3A_93, %add3A_95, %dma_wait3A_778] : memref<4x2048x2048xf32, #tpu.memory_space<hbm>> -> memref<1x16x2048xf32, #tpu.memory_space<hbm>>
    %dma_wait3A_780 = tpu.memref_squeeze %dma_wait3A_779 : memref<1x16x2048xf32, #tpu.memory_space<hbm>> -> memref<16x2048xf32, #tpu.memory_space<hbm>>
    %dma_wait3A_781 = tpu.memref_slice %arg6[%dma_wait3A_773] : memref<2x!tpu.dma_semaphore, #tpu.memory_space<semaphore_mem>> -> memref<1x!tpu.dma_semaphore, #tpu.memory_space<semaphore_mem>>
    %dma_wait3A_782 = tpu.memref_squeeze %dma_wait3A_781 : memref<1x!tpu.dma_semaphore, #tpu.memory_space<semaphore_mem>> -> memref<!tpu.dma_semaphore, #tpu.memory_space<semaphore_mem>>
    %dma_wait3A_783 = arith.constant 0 : i32
    %dma_wait3A_784 = tpu.memref_slice %arg3[%rem3A_93, %add3A_95, %dma_wait3A_783] : memref<4x2048x2048xf32, #tpu.memory_space<hbm>> -> memref<1x16x2048xf32, #tpu.memory_space<hbm>>
    %dma_wait3A_785 = tpu.memref_squeeze %dma_wait3A_784 : memref<1x16x2048xf32, #tpu.memory_space<hbm>> -> memref<16x2048xf32, #tpu.memory_space<hbm>>
    %dma_wait3A_786 = arith.constant 0 : i32
    %dma_wait3A_787 = arith.constant 0 : i32
    %dma_wait3A_788 = tpu.memref_slice %arg4[%dma_wait3A_772, %dma_wait3A_786, %dma_wait3A_787] : memref<2x16x2048xf32, #tpu.memory_space<vmem>> -> memref<1x16x2048xf32, #tpu.memory_space<vmem>>
    %dma_wait3A_789 = tpu.memref_squeeze %dma_wait3A_788 : memref<1x16x2048xf32, #tpu.memory_space<vmem>> -> memref<16x2048xf32, #tpu.memory_space<vmem>>
    tpu.wait_dma2 semaphore(%dma_wait3A_782 : memref<!tpu.dma_semaphore, #tpu.memory_space<semaphore_mem>>) src(%dma_wait3A_789 : memref<16x2048xf32, #tpu.memory_space<vmem>>) dst(%dma_wait3A_785 : memref<16x2048xf32, #tpu.memory_space<hbm>>)
    %dma_wait3A_790 = arith.constant 1 : i32
    %dma_wait3A_791 = arith.constant 1 : i32
    %dma_wait3A_792 = arith.constant 0 : i32
    %dma_wait3A_793 = arith.constant 0 : i32
    %dma_wait3A_794 = tpu.memref_slice %arg4[%dma_wait3A_790, %dma_wait3A_792, %dma_wait3A_793] : memref<2x16x2048xf32, #tpu.memory_space<vmem>> -> memref<1x16x2048xf32, #tpu.memory_space<vmem>>
    %dma_wait3A_795 = tpu.memref_squeeze %dma_wait3A_794 : memref<1x16x2048xf32, #tpu.memory_space<vmem>> -> memref<16x2048xf32, #tpu.memory_space<vmem>>
    %dma_wait3A_796 = arith.constant 0 : i32
    %dma_wait3A_797 = tpu.memref_slice %arg3[%rem3A_99, %add3A_101, %dma_wait3A_796] : memref<4x2048x2048xf32, #tpu.memory_space<hbm>> -> memref<1x16x2048xf32, #tpu.memory_space<hbm>>
    %dma_wait3A_798 = tpu.memref_squeeze %dma_wait3A_797 : memref<1x16x2048xf32, #tpu.memory_space<hbm>> -> memref<16x2048xf32, #tpu.memory_space<hbm>>
    %dma_wait3A_799 = tpu.memref_slice %arg6[%dma_wait3A_791] : memref<2x!tpu.dma_semaphore, #tpu.memory_space<semaphore_mem>> -> memref<1x!tpu.dma_semaphore, #tpu.memory_space<semaphore_mem>>
    %dma_wait3A_800 = tpu.memref_squeeze %dma_wait3A_799 : memref<1x!tpu.dma_semaphore, #tpu.memory_space<semaphore_mem>> -> memref<!tpu.dma_semaphore, #tpu.memory_space<semaphore_mem>>
    %dma_wait3A_801 = arith.constant 0 : i32
    %dma_wait3A_802 = tpu.memref_slice %arg3[%rem3A_99, %add3A_101, %dma_wait3A_801] : memref<4x2048x2048xf32, #tpu.memory_space<hbm>> -> memref<1x16x2048xf32, #tpu.memory_space<hbm>>
    %dma_wait3A_803 = tpu.memref_squeeze %dma_wait3A_802 : memref<1x16x2048xf32, #tpu.memory_space<hbm>> -> memref<16x2048xf32, #tpu.memory_space<hbm>>
    %dma_wait3A_804 = arith.constant 0 : i32
    %dma_wait3A_805 = arith.constant 0 : i32
    %dma_wait3A_806 = tpu.memref_slice %arg4[%dma_wait3A_790, %dma_wait3A_804, %dma_wait3A_805] : memref<2x16x2048xf32, #tpu.memory_space<vmem>> -> memref<1x16x2048xf32, #tpu.memory_space<vmem>>
    %dma_wait3A_807 = tpu.memref_squeeze %dma_wait3A_806 : memref<1x16x2048xf32, #tpu.memory_space<vmem>> -> memref<16x2048xf32, #tpu.memory_space<vmem>>
    tpu.wait_dma2 semaphore(%dma_wait3A_800 : memref<!tpu.dma_semaphore, #tpu.memory_space<semaphore_mem>>) src(%dma_wait3A_807 : memref<16x2048xf32, #tpu.memory_space<vmem>>) dst(%dma_wait3A_803 : memref<16x2048xf32, #tpu.memory_space<hbm>>)
    %dma_wait3A_808 = arith.constant 1 : i32
    %dma_wait3A_809 = arith.constant 1 : i32
    %dma_wait3A_810 = arith.constant 0 : i32
    %dma_wait3A_811 = arith.constant 0 : i32
    %dma_wait3A_812 = tpu.memref_slice %arg4[%dma_wait3A_808, %dma_wait3A_810, %dma_wait3A_811] : memref<2x16x2048xf32, #tpu.memory_space<vmem>> -> memref<1x16x2048xf32, #tpu.memory_space<vmem>>
    %dma_wait3A_813 = tpu.memref_squeeze %dma_wait3A_812 : memref<1x16x2048xf32, #tpu.memory_space<vmem>> -> memref<16x2048xf32, #tpu.memory_space<vmem>>
    %dma_wait3A_814 = arith.constant 0 : i32
    %dma_wait3A_815 = tpu.memref_slice %arg3[%rem3A_105, %add3A_107, %dma_wait3A_814] : memref<4x2048x2048xf32, #tpu.memory_space<hbm>> -> memref<1x16x2048xf32, #tpu.memory_space<hbm>>
    %dma_wait3A_816 = tpu.memref_squeeze %dma_wait3A_815 : memref<1x16x2048xf32, #tpu.memory_space<hbm>> -> memref<16x2048xf32, #tpu.memory_space<hbm>>
    %dma_wait3A_817 = tpu.memref_slice %arg6[%dma_wait3A_809] : memref<2x!tpu.dma_semaphore, #tpu.memory_space<semaphore_mem>> -> memref<1x!tpu.dma_semaphore, #tpu.memory_space<semaphore_mem>>
    %dma_wait3A_818 = tpu.memref_squeeze %dma_wait3A_817 : memref<1x!tpu.dma_semaphore, #tpu.memory_space<semaphore_mem>> -> memref<!tpu.dma_semaphore, #tpu.memory_space<semaphore_mem>>
    %dma_wait3A_819 = arith.constant 0 : i32
    %dma_wait3A_820 = tpu.memref_slice %arg3[%rem3A_105, %add3A_107, %dma_wait3A_819] : memref<4x2048x2048xf32, #tpu.memory_space<hbm>> -> memref<1x16x2048xf32, #tpu.memory_space<hbm>>
    %dma_wait3A_821 = tpu.memref_squeeze %dma_wait3A_820 : memref<1x16x2048xf32, #tpu.memory_space<hbm>> -> memref<16x2048xf32, #tpu.memory_space<hbm>>
    %dma_wait3A_822 = arith.constant 0 : i32
    %dma_wait3A_823 = arith.constant 0 : i32
    %dma_wait3A_824 = tpu.memref_slice %arg4[%dma_wait3A_808, %dma_wait3A_822, %dma_wait3A_823] : memref<2x16x2048xf32, #tpu.memory_space<vmem>> -> memref<1x16x2048xf32, #tpu.memory_space<vmem>>
    %dma_wait3A_825 = tpu.memref_squeeze %dma_wait3A_824 : memref<1x16x2048xf32, #tpu.memory_space<vmem>> -> memref<16x2048xf32, #tpu.memory_space<vmem>>
    tpu.wait_dma2 semaphore(%dma_wait3A_818 : memref<!tpu.dma_semaphore, #tpu.memory_space<semaphore_mem>>) src(%dma_wait3A_825 : memref<16x2048xf32, #tpu.memory_space<vmem>>) dst(%dma_wait3A_821 : memref<16x2048xf32, #tpu.memory_space<hbm>>)
    return
  }
}

</mosaic_0001>

<sc_bundles>
// kernel: kernel.3.cloned.1.call-start
scs
__scs_entry_jumppad:
0x0: {  	(pc) =	sbr.rel $0x88, $3  }
0x1: {  	(tag) =	ssettag $0x0;
	lr =	simm.s32 $0x1  }
0x2: {  	[smem:$0x3FA0] =	sst lr;
	_ =	strace $0xD0000000  }
0x3: {  	_ = 	snop  }
0x4: {  	_ = 	snop  }
0x5: {  	_ = 	snop  }
0x6: {  	_ = 	snop  }
0x7: {  	_ = 	snop  }
__scs_overlays_trampoline_lowered:
0x8: {  	[smem:$0x3FAF] =	sst s0  }
0x9: {  	[smem:$0x3FB0] =	sst s1  }
0xa: {  	[smem:$0x3FB1] =	sst s2  }
0xb: {  	[smem:$0x3FB2] =	sst s3  }
0xc: {  	[smem:$0x3FB3] =	sst s4  }
0xd: {  	[smem:$0x3FB4] =	sst s5  }
0xe: {  	[smem:$0x3FB5] =	sst s6  }
0xf: {  	[smem:$0x3FB6] =	sst s7  }
0x10: {  	[smem:$0x3FB7] =	sst s8  }
0x11: {  	[smem:$0x3FB8] =	sst s9;
	s0 =	simm.s32 @!p0 $0x0  }
0x12: {  	s1 =	sld [smem:$0x3F9E];
	s0 =	simm.s32 @p0 $0x1  }
0x13: {  	[smem:$0x3FB9] =	sst s0;
	s0 =	simm.s32 @!p1 $0x0  }
0x14: {  	s2 =	sld [smem:$0x3F9D];
	s0 =	simm.s32 @p1 $0x1  }
0x15: {  	[smem:$0x3FBA] =	sst s0;
	s0 =	simm.s32 @!p2 $0x0  }
0x16: {  	s3 =	sld [smem:$0x3FDB];
	s0 =	simm.s32 @p2 $0x1  }
0x17: {  	s4 =	simm.s32 $0x1BF5;
	[smem:$0x3FBC] =	sst s0  }
0x18: {  	s0 =	sld [smem:$0x3F9F];
	_ =	swait.ge [sflag:s4], $0x0  }
0x19: {  	s7 =	sld [smem:$0x3FA0]  }
0x1a: {  	s8 =	sadd.s32 $0xFFFFE003, lr  }
0x1b: {  	s9 =	sadd.s32 $0xFFFFFEF7, lr;
	s5 =	simm.s32 $0xFFFFFFFF;
	p2 =	slt.u32 s8, $0xFFFFF086  }
0x1c: {  	p1 =	slt.u32 s9, $0xF7A;
	s5 =	simm.s32 @!p2 $0x0  }
0x1d: {  	s5 =	simm.s32 @p1 $0x1;
	p0 =	seq.s32 s7, s2  }
0x1e: {  	s7 =	smul.u32 @!p0 $0xF7A, s2;
	p2 =	seq.s32 @!p0 s5, $0x0  }
0x1f: {  	s9 =	smul.u32 $0xF7A, s1;
	s8 =	simm.s32 @!p0 $0x1BF5;
	p2 =	por !p2, p0  }
0x20: {  	[sflag:s8] =	ssyncset.s32 @!p0 $0xFFFFF086;
	s6 =	sadd.s32 @!p0 s3, s7;
	s7 =	simm.s32 @!p0 $0x108  }
0x21: {  	s3 =	sadd.s32 s3, s9;
	s6 =	sadd.s32 @!p0 $0x88, s6;
	s7 =	simm.s32 @p2 $0x1082  }
0x22: {  	[simem:s7], [sflag:s8] =	dma.local @!p0 [hbm:s6], $0xF7A  }
0x23: {  	s9 =	sor.u32 $0xD0000000, s2;
	s6 =	simm.s32 $0x108;
	_ =	swait.ge @!p0 [sflag:s8], $0x0  }
0x24: {  	s3 =	sadd.s32 $0x88, s3;
	s6 =	simm.s32 @!p1 $0x1082;
	[sflag:s4] =	ssyncset.s32 $0xFFFFF086  }
0x25: {  	[simem:s6], [sflag:s4] =	dma.local [hbm:s3], $0xF7A  }
0x26: {  	[smem:$0x3FA0] =	sst s1;
	(tag) =	ssettag s2;
	_ =	strace s9  }
0x27: {  	s1 =	sld [smem:$0x3FB0]  }
0x28: {  	s2 =	sld [smem:$0x3FB1]  }
0x29: {  	s4 =	sld [smem:$0x3FB3]  }
0x2a: {  	p0 =	seq.s32 s5, $0x0;
	s5 =	sld [smem:$0x3FB4]  }
0x2b: {  	s6 =	sld [smem:$0x3FB5]  }
0x2c: {  	s7 =	sld [smem:$0x3FB6]  }
0x2d: {  	s3 =	simm.s32 $0x108;
	s8 =	sld [smem:$0x3FB7]  }
0x2e: {  	s3 =	simm.s32 @!p0 $0x1082;
	s9 =	sld [smem:$0x3FB8]  }
0x2f: {  	lr =	sadd.s32 s0, s3;
	s0 =	sld [smem:$0x3FAF]  }
0x30: {  	s3 =	sld [smem:$0x3FB2]  }
0x31: {  	[smem:$0x3FBB] =	sst s10  }
0x32: {  	s10 =	sld [smem:$0x3FB9];
	_ =	sdelay $0x3  }
0x33: {  	p0 =	seq.s32 s10, $0x1;
	s10 =	sld [smem:$0x3FBB];
	_ =	sdelay $0x3  }
0x34: {  	[smem:$0x3FBB] =	sst s10  }
0x35: {  	s10 =	sld [smem:$0x3FBA];
	_ =	sdelay $0x3  }
0x36: {  	p1 =	seq.s32 s10, $0x1;
	s10 =	sld [smem:$0x3FBB];
	_ =	sdelay $0x3  }
0x37: {  	[smem:$0x3FBB] =	sst s10  }
0x38: {  	s10 =	sld [smem:$0x3FBC]  }
0x39: {  	_ = 	snop;
	(pc) =	sbr.ind lr, $3  }
0x3a: {  	_ = 	snop  }
0x3b: {  	_ = 	snop  }
0x3c: {  	p2 =	seq.s32 s10, $0x1;
	s10 =	sld [smem:$0x3FBB]  }
0x3d: {  	_ =	shalt  }
0x3e: {  	_ =	shalt  }
0x3f: {  	_ =	shalt  }
0x40: {  	_ =	shalt  }
0x41: {  	_ =	shalt  }
0x42: {  	_ =	shalt  }
0x43: {  	_ =	shalt  }
0x44: {  	_ =	shalt  }
0x45: {  	_ =	shalt  }
0x46: {  	_ =	shalt  }
0x47: {  	_ =	shalt  }
0x48: {  	_ =	shalt  }
0x49: {  	_ =	shalt  }
0x4a: {  	_ =	shalt  }
0x4b: {  	_ =	shalt  }
0x4c: {  	_ =	shalt  }
0x4d: {  	_ =	shalt  }
0x4e: {  	_ =	shalt  }
0x4f: {  	_ =	shalt  }
0x50: {  	_ =	shalt  }
0x51: {  	_ =	shalt  }
0x52: {  	_ =	shalt  }
0x53: {  	_ =	shalt  }
0x54: {  	_ =	shalt  }
0x55: {  	_ =	shalt  }
0x56: {  	_ =	shalt  }
0x57: {  	_ =	shalt  }
0x58: {  	_ =	shalt  }
0x59: {  	_ =	shalt  }
0x5a: {  	_ =	shalt  }
0x5b: {  	_ =	shalt  }
0x5c: {  	_ =	shalt  }
0x5d: {  	_ =	shalt  }
0x5e: {  	_ =	shalt  }
0x5f: {  	_ =	shalt  }
0x60: {  	_ =	shalt  }
0x61: {  	_ =	shalt  }
0x62: {  	_ =	shalt  }
0x63: {  	_ =	shalt  }
0x64: {  	_ =	shalt  }
0x65: {  	_ =	shalt  }
0x66: {  	_ =	shalt  }
0x67: {  	_ =	shalt  }
0x68: {  	_ =	shalt  }
0x69: {  	_ =	shalt  }
0x6a: {  	_ =	shalt  }
0x6b: {  	_ =	shalt  }
0x6c: {  	_ =	shalt  }
0x6d: {  	_ =	shalt  }
0x6e: {  	_ =	shalt  }
0x6f: {  	_ =	shalt  }
0x70: {  	_ =	shalt  }
0x71: {  	_ =	shalt  }
0x72: {  	_ =	shalt  }
0x73: {  	_ =	shalt  }
0x74: {  	_ =	shalt  }
0x75: {  	_ =	shalt  }
0x76: {  	_ =	shalt  }
0x77: {  	_ =	shalt  }
0x78: {  	_ =	shalt  }
0x79: {  	_ =	shalt  }
0x7a: {  	_ =	shalt  }
0x7b: {  	_ =	shalt  }
0x7c: {  	_ =	shalt  }
0x7d: {  	_ =	shalt  }
0x7e: {  	_ =	shalt  }
0x7f: {  	_ =	shalt  }
0x80: {  	_ =	shalt  }
0x81: {  	_ =	shalt  }
0x82: {  	_ =	shalt  }
0x83: {  	_ =	shalt  }
0x84: {  	_ =	shalt  }
0x85: {  	_ =	shalt  }
0x86: {  	_ =	shalt  }
0x87: {  	_ =	shalt  }
.Lfunc_end0:
.L_simem_size_0:
called_computation_lowered:
.L_overlay_start_0:
0x88: {  	s2 =	sld [smem:$0x3FD9]  }
0x89: {  	s3 =	sld [smem:$0x3FFE];
	_ =	sdelay $0x1  }
0x8a: {  	s1 =	srdreg.scid  }
0x8b: {  	s0 =	sand.u32 $0x1, s1  }
0x8c: {  	s18 =	sshll.u32 s0, $0xA;
	s2 =	sadd.s32 s3, s2  }
0x8d: {  	s2 =	sadd.s32 s2, s18  }
0x8e: {  	[smem:$0x3FC7] =	sst s2  }
0x8f: {  	_ = 	snop  }
0x90: {  	s2 =	sld [smem:$0x3FC9]  }
0x91: {  	s19 =	sld [smem:$0x3FD0];
	(tm) =	ssettm $0x1  }
0x92: {  	s4 =	sld [smem:$0x3FFB];
	_ =	sdelay $0x3  }
0x93: {  	_ =	strace s4  }
0x94: {  	s4 =	sld [smem:$0x3FFC];
	_ =	sdelay $0x3  }
0x95: {  	_ =	strace s4  }
0x96: {  	s4 =	sld [smem:$0x3FFD];
	_ =	sdelay $0x3  }
0x97: {  	_ =	strace s4  }
0x98: {  	_ =	strace $0x8FFFFFFF  }
0x99: {  	s20 =	sld [smem:$0x3FDB];
	_ =	sdelay $0x1  }
0x9a: {  	s5 =	simm.s32 $_scs_section_size  }
0x9b: {  	s6 =	simm.s32 $_size__tile_overlayer_lowered;
	s7 =	simm.s32 $_tile_overlayer_lowered  }
0x9c: {  	s23 =	simm.s32 $0x1BFF;
	s22 =	sshll.u32 s7, $0x1;
	s4 =	sadd.s32 s5, s20  }
0x9d: {  	s8 =	simm.s32 $0x0;
	s21 =	sshll.u32 s6, $0x1;
	s6 =	sadd.s32 s22, s4  }
0x9e: {  	[timem:s8], [sflag:s23] =	dma.local [hbm:s6], s21  }
0x9f: {  	_ =	swait.ge [sflag:s23], s21  }
0xa0: {  	s5 =	ssub.s32 $0x0, s21;
	[sflag:s23] =	ssyncset.done $0x0  }
0xa1: {  	[sflag:s23] =	ssyncadd.s32 s5;
	_ =	sdelay $0x1  }
0xa2: {  	s24 =	simm.s32 $0x1B8B  }
0xa3: {  	_ =	swait.ge [sflag:s24], $0x1  }
0xa4: {  	[sflag:s24] =	ssyncset.done $0x0  }
0xa5: {  	s25 =	simm.s32 $0x1B8E;
	[sflag:s24] =	ssyncadd.s32 $0xFFFFFFFF  }
0xa6: {  	s26 =	simm.s32 $execute0_lowered;
	[smem:$0x3FD2] =	sst s25  }
0xa7: {  	s5 =	sshll.u32 s26, $0x1;
	_ =	strace $0x80000046;
	[dreg:$0x1] =	wrdreg $0xFFFFFFFF  }
0xa8: {  	s28 =	simm.s32 $_size_execute0_lowered;
	s4 =	sadd.s32 s4, s5;
	[dreg:$0x0] =	wrdreg $0x0  }
0xa9: {  	s5 =	sshll.u32 s28, $0x1;
	[dreg:$0x2] =	wrdreg s4  }
0xaa: {  	[dreg:$0x3] =	wrdreg s5  }
0xab: {  	[dreg:$0x4] =	wrdreg $0xC0  }
0xac: {  	_ =	task [dreg:s8], $0x5FFFF  }
0xad: {  	[dreg:$0x1] =	wrdreg $0xFFFFFFFF  }
0xae: {  	[dreg:$0x0] =	wrdreg $0x60  }
0xaf: {  	[dreg:$0x2] =	wrdreg s2  }
0xb0: {  	[dreg:$0x3] =	wrdreg s19  }
0xb1: {  	[dreg:$0x4] =	wrdreg $0x9  }
0xb2: {  	_ =	task.clear_ibuf [dreg:s8], $0x5FFFF;
	_ =	strace $0x90000046  }
0xb3: {  	s29 =	simm.s32 $0x9;
	_ =	strace $0x80000048  }
0xb4: {  	_ =	swait.ge [sflag:s29], $0x1  }
0xb5: {  	[sflag:s29] =	ssyncadd.s32 $0xFFFFFFFF  }
0xb6: {  	_ =	strace $0x90000048  }
0xb7: {  	_ =	sfence  }
0xb8: {  	s30 =	sld [smem:$0x0];
	_ =	sdelay $0x2  }
0xb9: {  	s31 =	sshll.u32 s1, $0xD;
	s1 =	sshrl.u32 s1, $0x2  }
0xba: {  	s3 =	sand.u32 $0x4000, s31;
	s1 =	sadd.s32 s1, s30  }
0xbb: {  	s0 =	sor.u32 s3, s0;
	s1 =	sshll.u32 s1, $0x11  }
0xbc: {  	s0 =	sor.u32 s1, s0  }
0xbd: {  	s0 =	sadd.s32 $0x8F2B, s0  }
0xbe: {  	[sflag:s0] =	ssyncadd.remote.s32 $0x1  }
0xbf: {  	_ =	sfence.sel $0xFFFF  }
0xc0: {  	[dreg:$0x0] =	wrdreg $0xFFFFFFFF;
	(pc) =	sbr.abs _section_cstart, $3  }
0xc1: {  	[dreg:$0x1] =	wrdreg $0xFFFFFFFF  }
0xc2: {  	_ =	task.clear_ibuf [dreg:s8], $0x2FFFF;
	_ =	strace $0x9FFFFFFF  }
0xc3: {  	(tm) =	ssettm $0x7FFFFFFF  }
tec
execute0_lowered:
.L_overlay_start_1:
0x0: {  	(tag) =	ssettag $0x1  }
0x1: {  	s23 =	rddreg [dreg:$0x0]  }
0x2: {  	s2 =	simm.s32 $0x0;
	s3 =	srdreg.scid;
	s1 =	stileid.u32  }
0x3: {  	[smem:$0x7FF] =	sst s2;
	s29 =	sand.u32 $0x1, s3;
	s17 =	sshll.u32 s1, $0x1  }
0x4: {  	s28 =	rddreg [dreg:$0x1];
	_ =	strace $0x80000047;
	s3 =	sor.u32 s29, s17  }
0x5: {  	s24 =	sshll.u32 s3, $0x11;
	s4 =	sshll.u32 s3, $0xE;
	s8 =	sshll.u32 s3, $0x16  }
0x6: {  	s3 =	sadd.s32 s23, s4;
	s14 =	sor.u32 $0x8000, s24;
	s25 =	sand.u32 $0xC00000, s8  }
0x7: {  	s6 =	sadd.s32 $0x400000, s8;
	s8 =	sadd.s32 $0xC00000, s8;
	s18 =	sshrl.u32 s14, $0x3  }
0x8: {  	[tilespmem:s2], [sflag:$0x1] =	stream.linear.gather [hbm4b:s3+s2], $0x8000, $0x38;
	[tilespmem:$0x10000] =	vst v63  }
0x9: {  	s5 =	sor.u32 s24, s25;
	s26 =	sand.u32 $0xC00000, s6;
	s6 =	simm.s32 $0x1  }
0xa: {  	s4 =	sadd.s32 s23, s18;
	s7 =	sshrl.u32 s5, $0x3;
	s5 =	simm.s32 $0x8000  }
0xb: {  	[tilespmem:s5], [sflag:$0x2] =	stream.linear.gather [hbm4b:s4+s2], $0x8000, $0x38;
	[tilespmem:$0x10000] =	vst v63  }
0xc: {  	s30 =	sxor.u32 $0x800000, s25;
	s31 =	sand.u32 $0xC00000, s8;
	_ =	swait.ge [sflag:s6], $0x8000  }
0xd: {  	s9 =	sor.u32 s24, s26;
	s10 =	sor.u32 s24, s30;
	[sflag:s6] =	ssyncset.done $0x0  }
0xe: {  	s7 =	sadd.s32 s28, s7;
	s9 =	sshrl.u32 s9, $0x3;
	[sflag:s6] =	ssyncadd.s32 $0xFFFF8000  }
0xf: {  	[hbm4b:s7+s2] =	stream.linear.scatter [tilespmem:s2], [sflag:$0x3], $0x8000, $0x38;
	[tilespmem:$0x10000] =	vst v63  }
0x10: {  	s20 =	sor.u32 s24, s31;
	s19 =	sshrl.u32 s10, $0x3;
	s8 =	sadd.s32 s28, s9  }
0x11: {  	[hbm4b:s8+s2] =	stream.linear.scatter [tilespmem:s2], [sflag:$0x3], $0x8000, $0x38;
	[tilespmem:$0x10000] =	vst v63  }
0x12: {  	s10 =	sshrl.u32 s20, $0x3;
	s9 =	sadd.s32 s28, s19  }
0x13: {  	[hbm4b:s9+s2] =	stream.linear.scatter [tilespmem:s2], [sflag:$0x3], $0x8000, $0x38;
	[tilespmem:$0x10000] =	vst v63  }
0x14: {  	s11 =	simm.s32 $0x2;
	s12 =	sor.u32 s14, s25;
	s10 =	sadd.s32 s28, s10  }
0x15: {  	[hbm4b:s10+s2] =	stream.linear.scatter [tilespmem:s2], [sflag:$0x3], $0x8000, $0x38;
	[tilespmem:$0x10000] =	vst v63  }
0x16: {  	s12 =	sshrl.u32 s12, $0x3;
	_ =	swait.ge [sflag:s11], $0x8000  }
0x17: {  	s13 =	sor.u32 s14, s26;
	s15 =	sor.u32 s14, s30;
	[sflag:s11] =	ssyncset.done $0x0  }
0x18: {  	s12 =	sadd.s32 s28, s12;
	s13 =	sshrl.u32 s13, $0x3;
	[sflag:s11] =	ssyncadd.s32 $0xFFFF8000  }
0x19: {  	[hbm4b:s12+s2] =	stream.linear.scatter [tilespmem:s5], [sflag:$0x4], $0x8000, $0x38;
	[tilespmem:$0x10000] =	vst v63  }
0x1a: {  	s16 =	sor.u32 s14, s31;
	s15 =	sshrl.u32 s15, $0x3;
	s13 =	sadd.s32 s28, s13  }
0x1b: {  	[hbm4b:s13+s2] =	stream.linear.scatter [tilespmem:s5], [sflag:$0x4], $0x8000, $0x38;
	[tilespmem:$0x10000] =	vst v63  }
0x1c: {  	s21 =	sshrl.u32 s16, $0x3;
	s14 =	sadd.s32 s28, s15  }
0x1d: {  	[hbm4b:s14+s2] =	stream.linear.scatter [tilespmem:s5], [sflag:$0x4], $0x8000, $0x38;
	[tilespmem:$0x10000] =	vst v63  }
0x1e: {  	s16 =	simm.s32 $0x3;
	s15 =	sadd.s32 s28, s21  }
0x1f: {  	[hbm4b:s15+s2] =	stream.linear.scatter [tilespmem:s5], [sflag:$0x4], $0x8000, $0x38;
	[tilespmem:$0x10000] =	vst v63  }
0x20: {  	_ =	swait.ge [sflag:s16], $0x8000  }
0x21: {  	[sflag:s16] =	ssyncset.done $0x0  }
0x22: {  	[sflag:s16] =	ssyncadd.s32 $0xFFFF8000  }
0x23: {  	_ =	swait.ge [sflag:s16], $0x8000  }
0x24: {  	[sflag:s16] =	ssyncset.done $0x0  }
0x25: {  	[sflag:s16] =	ssyncadd.s32 $0xFFFF8000  }
0x26: {  	_ =	swait.ge [sflag:s16], $0x8000  }
0x27: {  	[sflag:s16] =	ssyncset.done $0x0  }
0x28: {  	[sflag:s16] =	ssyncadd.s32 $0xFFFF8000  }
0x29: {  	s20 =	sor.u32 $0x10000, s24;
	_ =	swait.ge [sflag:s16], $0x8000  }
0x2a: {  	s17 =	sshrl.u32 s20, $0x3;
	[sflag:s16] =	ssyncset.done $0x0  }
0x2b: {  	s17 =	sadd.s32 s23, s17;
	[sflag:s16] =	ssyncadd.s32 $0xFFFF8000  }
0x2c: {  	[tilespmem:s2], [sflag:$0x1] =	stream.linear.gather [hbm4b:s17+s2], $0x8000, $0x38;
	[tilespmem:$0x10000] =	vst v63  }
0x2d: {  	s18 =	sor.u32 s20, s25;
	s19 =	sor.u32 s20, s26;
	_ =	swait.ge [sflag:s6], $0x8000  }
0x2e: {  	s21 =	sor.u32 s20, s30;
	s18 =	sshrl.u32 s18, $0x3;
	[sflag:s6] =	ssyncset.done $0x0  }
0x2f: {  	s19 =	sshrl.u32 s19, $0x3;
	s18 =	sadd.s32 s28, s18;
	[sflag:s6] =	ssyncadd.s32 $0xFFFF8000  }
0x30: {  	[hbm4b:s18+s2] =	stream.linear.scatter [tilespmem:s2], [sflag:$0x3], $0x8000, $0x38;
	[tilespmem:$0x10000] =	vst v63  }
0x31: {  	s22 =	sor.u32 s20, s31;
	s21 =	sshrl.u32 s21, $0x3;
	s19 =	sadd.s32 s28, s19  }
0x32: {  	[hbm4b:s19+s2] =	stream.linear.scatter [tilespmem:s2], [sflag:$0x3], $0x8000, $0x38;
	[tilespmem:$0x10000] =	vst v63  }
0x33: {  	s22 =	sshrl.u32 s22, $0x3;
	s20 =	sadd.s32 s28, s21  }
0x34: {  	[hbm4b:s20+s2] =	stream.linear.scatter [tilespmem:s2], [sflag:$0x3], $0x8000, $0x38;
	[tilespmem:$0x10000] =	vst v63  }
0x35: {  	s21 =	sadd.s32 s28, s22;
	s22 =	simm.s32 $0x4  }
0x36: {  	[hbm4b:s21+s2] =	stream.linear.scatter [tilespmem:s2], [sflag:$0x3], $0x8000, $0x38;
	[tilespmem:$0x10000] =	vst v63  }
0x37: {  	_ =	swait.ge [sflag:s22], $0x8000  }
0x38: {  	[sflag:s22] =	ssyncset.done $0x0  }
0x39: {  	[sflag:s22] =	ssyncadd.s32 $0xFFFF8000  }
0x3a: {  	_ =	swait.ge [sflag:s22], $0x8000  }
0x3b: {  	[sflag:s22] =	ssyncset.done $0x0  }
0x3c: {  	[sflag:s22] =	ssyncadd.s32 $0xFFFF8000  }
0x3d: {  	_ =	swait.ge [sflag:s22], $0x8000  }
0x3e: {  	[sflag:s22] =	ssyncset.done $0x0  }
0x3f: {  	[sflag:s22] =	ssyncadd.s32 $0xFFFF8000  }
0x40: {  	s0 =	sor.u32 $0x18000, s24;
	_ =	swait.ge [sflag:s22], $0x8000  }
0x41: {  	s24 =	sshrl.u32 s0, $0x3;
	[sflag:s22] =	ssyncset.done $0x0  }
0x42: {  	s23 =	sadd.s32 s23, s24;
	[sflag:s22] =	ssyncadd.s32 $0xFFFF8000  }
0x43: {  	[tilespmem:s5], [sflag:$0x2] =	stream.linear.gather [hbm4b:s23+s2], $0x8000, $0x38;
	[tilespmem:$0x10000] =	vst v63  }
0x44: {  	s25 =	sor.u32 s0, s25;
	s26 =	sor.u32 s0, s26;
	_ =	swait.ge [sflag:s11], $0x8000  }
0x45: {  	s30 =	sor.u32 s0, s30;
	s24 =	sshrl.u32 s25, $0x3;
	[sflag:s11] =	ssyncset.done $0x0  }
0x46: {  	s25 =	sshrl.u32 s26, $0x3;
	s24 =	sadd.s32 s28, s24;
	[sflag:s11] =	ssyncadd.s32 $0xFFFF8000  }
0x47: {  	[hbm4b:s24+s2] =	stream.linear.scatter [tilespmem:s5], [sflag:$0x4], $0x8000, $0x38;
	[tilespmem:$0x10000] =	vst v63  }
0x48: {  	s0 =	sor.u32 s0, s31;
	s26 =	sshrl.u32 s30, $0x3;
	s25 =	sadd.s32 s28, s25  }
0x49: {  	[hbm4b:s25+s2] =	stream.linear.scatter [tilespmem:s5], [sflag:$0x4], $0x8000, $0x38;
	[tilespmem:$0x10000] =	vst v63  }
0x4a: {  	s0 =	sshrl.u32 s0, $0x3;
	s26 =	sadd.s32 s28, s26  }
0x4b: {  	[hbm4b:s26+s2] =	stream.linear.scatter [tilespmem:s5], [sflag:$0x4], $0x8000, $0x38;
	[tilespmem:$0x10000] =	vst v63  }
0x4c: {  	s28 =	sadd.s32 s28, s0  }
0x4d: {  	[hbm4b:s28+s2] =	stream.linear.scatter [tilespmem:s5], [sflag:$0x4], $0x8000, $0x38;
	[tilespmem:$0x10000] =	vst v63  }
0x4e: {  	_ =	swait.ge [sflag:s16], $0x8000  }
0x4f: {  	[sflag:s16] =	ssyncset.done $0x0  }
0x50: {  	[sflag:s16] =	ssyncadd.s32 $0xFFFF8000  }
0x51: {  	_ =	swait.ge [sflag:s16], $0x8000  }
0x52: {  	[sflag:s16] =	ssyncset.done $0x0  }
0x53: {  	[sflag:s16] =	ssyncadd.s32 $0xFFFF8000  }
0x54: {  	_ =	swait.ge [sflag:s16], $0x8000  }
0x55: {  	[sflag:s16] =	ssyncset.done $0x0  }
0x56: {  	[sflag:s16] =	ssyncadd.s32 $0xFFFF8000  }
0x57: {  	_ =	swait.ge [sflag:s16], $0x8000  }
0x58: {  	[sflag:s16] =	ssyncset.done $0x0  }
0x59: {  	[sflag:s16] =	ssyncadd.s32 $0xFFFF8000  }
0x5a: {  	_ =	swait.ge [sflag:s22], $0x8000  }
0x5b: {  	s31 =	ssub.s32 $0x2, s29;
	[sflag:s22] =	ssyncset.done $0x0  }
0x5c: {  	s29 =	sshrl.u32 s31, $0x1;
	[sflag:s22] =	ssyncadd.s32 $0xFFFF8000  }
0x5d: {  	s0 =	ssub.s32 s31, s29;
	_ =	swait.ge [sflag:s22], $0x8000  }
0x5e: {  	s0 =	smax.u32 s0, $0x1;
	[sflag:s22] =	ssyncset.done $0x0  }
0x5f: {  	p0 =	sne.s32 s0, $0x1;
	[sflag:s22] =	ssyncadd.s32 $0xFFFF8000  }
.Ltmp0:
0x60: {  	_ =	swait.ge [sflag:s22], $0x8000;
	(pc) =	sbr.rel @!p0 .LBB2_2-.Ltmp0, $4  }
0x61: {  	[sflag:s22] =	ssyncset.done $0x0  }
0x62: {  	[sflag:s22] =	ssyncadd.s32 $0xFFFF8000  }
0x63: {  	_ =	swait.ge [sflag:s22], $0x8000  }
0x64: {  	s29 =	sadd.s32 $0xFFFFFFFF, s0;
	[sflag:s22] =	ssyncset.done $0x0  }
.LBB2_1:
0x65: {  	p0 =	sne.s32 s29, $0x1;
	s29 =	sadd.s32 $0xFFFFFFFF, s29;
	[sflag:s22] =	ssyncadd.s32 $0xFFFF8000  }
0x66: {  	[tilespmem:s2], [sflag:$0x1] =	stream.linear.gather [hbm4b:s3+s2], $0x8000, $0x38;
	[tilespmem:$0x10000] =	vst v63  }
0x67: {  	_ = 	snop  }
0x68: {  	[tilespmem:s5], [sflag:$0x2] =	stream.linear.gather [hbm4b:s4+s2], $0x8000, $0x38;
	[tilespmem:$0x10000] =	vst v63  }
0x69: {  	_ =	swait.ge [sflag:s6], $0x8000  }
0x6a: {  	[sflag:s6] =	ssyncset.done $0x0  }
0x6b: {  	[sflag:s6] =	ssyncadd.s32 $0xFFFF8000  }
0x6c: {  	[hbm4b:s7+s2] =	stream.linear.scatter [tilespmem:s2], [sflag:$0x3], $0x8000, $0x38;
	[tilespmem:$0x10000] =	vst v63  }
0x6d: {  	_ = 	snop  }
0x6e: {  	[hbm4b:s8+s2] =	stream.linear.scatter [tilespmem:s2], [sflag:$0x3], $0x8000, $0x38;
	[tilespmem:$0x10000] =	vst v63  }
0x6f: {  	_ = 	snop  }
0x70: {  	[hbm4b:s9+s2] =	stream.linear.scatter [tilespmem:s2], [sflag:$0x3], $0x8000, $0x38;
	[tilespmem:$0x10000] =	vst v63  }
0x71: {  	_ = 	snop  }
0x72: {  	[hbm4b:s10+s2] =	stream.linear.scatter [tilespmem:s2], [sflag:$0x3], $0x8000, $0x38;
	[tilespmem:$0x10000] =	vst v63  }
0x73: {  	_ =	swait.ge [sflag:s11], $0x8000  }
0x74: {  	[sflag:s11] =	ssyncset.done $0x0  }
0x75: {  	[sflag:s11] =	ssyncadd.s32 $0xFFFF8000  }
0x76: {  	[hbm4b:s12+s2] =	stream.linear.scatter [tilespmem:s5], [sflag:$0x4], $0x8000, $0x38;
	[tilespmem:$0x10000] =	vst v63  }
0x77: {  	_ = 	snop  }
0x78: {  	[hbm4b:s13+s2] =	stream.linear.scatter [tilespmem:s5], [sflag:$0x4], $0x8000, $0x38;
	[tilespmem:$0x10000] =	vst v63  }
0x79: {  	_ = 	snop  }
0x7a: {  	[hbm4b:s14+s2] =	stream.linear.scatter [tilespmem:s5], [sflag:$0x4], $0x8000, $0x38;
	[tilespmem:$0x10000] =	vst v63  }
0x7b: {  	_ = 	snop  }
0x7c: {  	[hbm4b:s15+s2] =	stream.linear.scatter [tilespmem:s5], [sflag:$0x4], $0x8000, $0x38;
	[tilespmem:$0x10000] =	vst v63  }
0x7d: {  	_ =	swait.ge [sflag:s16], $0x8000  }
0x7e: {  	[sflag:s16] =	ssyncset.done $0x0  }
0x7f: {  	[sflag:s16] =	ssyncadd.s32 $0xFFFF8000  }
0x80: {  	_ =	swait.ge [sflag:s16], $0x8000  }
0x81: {  	[sflag:s16] =	ssyncset.done $0x0  }
0x82: {  	[sflag:s16] =	ssyncadd.s32 $0xFFFF8000  }
0x83: {  	_ =	swait.ge [sflag:s16], $0x8000  }
0x84: {  	[sflag:s16] =	ssyncset.done $0x0  }
0x85: {  	[sflag:s16] =	ssyncadd.s32 $0xFFFF8000  }
0x86: {  	_ =	swait.ge [sflag:s16], $0x8000  }
0x87: {  	[sflag:s16] =	ssyncset.done $0x0  }
0x88: {  	[sflag:s16] =	ssyncadd.s32 $0xFFFF8000  }
0x89: {  	[tilespmem:s2], [sflag:$0x1] =	stream.linear.gather [hbm4b:s17+s2], $0x8000, $0x38;
	[tilespmem:$0x10000] =	vst v63  }
0x8a: {  	_ =	swait.ge [sflag:s6], $0x8000  }
0x8b: {  	[sflag:s6] =	ssyncset.done $0x0  }
0x8c: {  	[sflag:s6] =	ssyncadd.s32 $0xFFFF8000  }
0x8d: {  	[hbm4b:s18+s2] =	stream.linear.scatter [tilespmem:s2], [sflag:$0x3], $0x8000, $0x38;
	[tilespmem:$0x10000] =	vst v63  }
0x8e: {  	_ = 	snop  }
0x8f: {  	[hbm4b:s19+s2] =	stream.linear.scatter [tilespmem:s2], [sflag:$0x3], $0x8000, $0x38;
	[tilespmem:$0x10000] =	vst v63  }
0x90: {  	_ = 	snop  }
0x91: {  	[hbm4b:s20+s2] =	stream.linear.scatter [tilespmem:s2], [sflag:$0x3], $0x8000, $0x38;
	[tilespmem:$0x10000] =	vst v63  }
0x92: {  	_ = 	snop  }
0x93: {  	[hbm4b:s21+s2] =	stream.linear.scatter [tilespmem:s2], [sflag:$0x3], $0x8000, $0x38;
	[tilespmem:$0x10000] =	vst v63  }
0x94: {  	_ =	swait.ge [sflag:s22], $0x8000  }
0x95: {  	[sflag:s22] =	ssyncset.done $0x0  }
0x96: {  	[sflag:s22] =	ssyncadd.s32 $0xFFFF8000  }
0x97: {  	_ =	swait.ge [sflag:s22], $0x8000  }
0x98: {  	[sflag:s22] =	ssyncset.done $0x0  }
0x99: {  	[sflag:s22] =	ssyncadd.s32 $0xFFFF8000  }
0x9a: {  	_ =	swait.ge [sflag:s22], $0x8000  }
0x9b: {  	[sflag:s22] =	ssyncset.done $0x0  }
0x9c: {  	[sflag:s22] =	ssyncadd.s32 $0xFFFF8000  }
0x9d: {  	_ =	swait.ge [sflag:s22], $0x8000  }
0x9e: {  	[sflag:s22] =	ssyncset.done $0x0  }
0x9f: {  	[sflag:s22] =	ssyncadd.s32 $0xFFFF8000  }
0xa0: {  	[tilespmem:s5], [sflag:$0x2] =	stream.linear.gather [hbm4b:s23+s2], $0x8000, $0x38;
	[tilespmem:$0x10000] =	vst v63  }
0xa1: {  	_ =	swait.ge [sflag:s11], $0x8000  }
0xa2: {  	[sflag:s11] =	ssyncset.done $0x0  }
0xa3: {  	[sflag:s11] =	ssyncadd.s32 $0xFFFF8000  }
0xa4: {  	[hbm4b:s24+s2] =	stream.linear.scatter [tilespmem:s5], [sflag:$0x4], $0x8000, $0x38;
	[tilespmem:$0x10000] =	vst v63  }
0xa5: {  	_ = 	snop  }
0xa6: {  	[hbm4b:s25+s2] =	stream.linear.scatter [tilespmem:s5], [sflag:$0x4], $0x8000, $0x38;
	[tilespmem:$0x10000] =	vst v63  }
0xa7: {  	_ = 	snop  }
0xa8: {  	[hbm4b:s26+s2] =	stream.linear.scatter [tilespmem:s5], [sflag:$0x4], $0x8000, $0x38;
	[tilespmem:$0x10000] =	vst v63  }
0xa9: {  	_ = 	snop  }
0xaa: {  	[hbm4b:s28+s2] =	stream.linear.scatter [tilespmem:s5], [sflag:$0x4], $0x8000, $0x38;
	[tilespmem:$0x10000] =	vst v63  }
0xab: {  	_ =	swait.ge [sflag:s16], $0x8000  }
0xac: {  	[sflag:s16] =	ssyncset.done $0x0  }
0xad: {  	[sflag:s16] =	ssyncadd.s32 $0xFFFF8000  }
0xae: {  	_ =	swait.ge [sflag:s16], $0x8000  }
0xaf: {  	[sflag:s16] =	ssyncset.done $0x0  }
0xb0: {  	[sflag:s16] =	ssyncadd.s32 $0xFFFF8000  }
0xb1: {  	_ =	swait.ge [sflag:s16], $0x8000  }
0xb2: {  	[sflag:s16] =	ssyncset.done $0x0  }
0xb3: {  	[sflag:s16] =	ssyncadd.s32 $0xFFFF8000  }
0xb4: {  	_ =	swait.ge [sflag:s16], $0x8000  }
0xb5: {  	[sflag:s16] =	ssyncset.done $0x0  }
0xb6: {  	[sflag:s16] =	ssyncadd.s32 $0xFFFF8000  }
0xb7: {  	_ =	swait.ge [sflag:s22], $0x8000  }
0xb8: {  	[sflag:s22] =	ssyncset.done $0x0  }
0xb9: {  	[sflag:s22] =	ssyncadd.s32 $0xFFFF8000  }
0xba: {  	_ =	swait.ge [sflag:s22], $0x8000  }
0xbb: {  	[sflag:s22] =	ssyncset.done $0x0  }
0xbc: {  	[sflag:s22] =	ssyncadd.s32 $0xFFFF8000  }
.Ltmp1:
0xbd: {  	_ =	swait.ge [sflag:s22], $0x8000;
	(pc) =	sbr.rel @p0 .LBB2_1-.Ltmp1, $4  }
0xbe: {  	[sflag:s22] =	ssyncset.done $0x0  }
0xbf: {  	[sflag:s22] =	ssyncadd.s32 $0xFFFF8000  }
0xc0: {  	_ =	swait.ge [sflag:s22], $0x8000  }
0xc1: {  	[sflag:s22] =	ssyncset.done $0x0  }
.LBB2_2:
0xc2: {  	[sflag:s22] =	ssyncadd.s32 $0xFFFF8000  }
0xc3: {  	_ =	sfence.sel $0x180000  }
0xc4: {  	[bflag:$0x0] =	sbarrier.arrive $0xFFFF  }
0xc5: {  	_ =	strace $0x90000047  }
0xc6: {  	[bflag:$0x2] =	sbarrier.arrive $0xFFFF  }
0xc7: {  	p0 =	sne.s32 s1, $0x0;
	s0 =	rddreg [dreg:$0x2]  }
0xc8: {  	s0 =	sadd.s32 @!p0 $0x100000, s0  }
0xc9: {  	[sflag:s0] =	ssyncadd.tile.s32 @!p0 $0x1;
	_ =	shalt  }
.Lfunc_end2:
_tile_overlayer_lowered:
.L_overlay_start_2:
0xca: {  	(tag) =	ssettag $0x2  }
0xcb: {  	s0 =	rddreg [dreg:$0x0];
	s2 =	stileid.u32  }
0xcc: {  	s1 =	rddreg [dreg:$0x1];
	p0 =	sne.s32 s2, $0x0  }
0xcd: {  	s3 =	rddreg [dreg:$0x2];
	[bflag:$0x3] =	sbarrier.arrive $0xFFFF;
	s2 =	simm.s32 @!p0 $0x1C05  }
0xce: {  	[timem:s3], [sflag:s2] =	dma.local @!p0 [hbm:s0], s1  }
0xcf: {  	s0 =	simm.s32 @!p0 $0x5  }
0xd0: {  	_ =	swait.ge @!p0 [sflag:s0], s1  }
0xd1: {  	s1 =	ssub.s32 @!p0 $0x0, s1;
	[sflag:s0] =	ssyncset.done @!p0 $0x0  }
0xd2: {  	[sflag:s0] =	ssyncadd.s32 @!p0 s1  }
0xd3: {  	[bflag:$0x3] =	sbarrier.arrive $0xFFFF  }
0xd4: {  	_ =	shalt  }

</sc_bundles>
